<compile_context>
chip_gen: v7x
topology: tpu7x:2x2x1
jax: 0.10.2.dev20260603
libtpu: 0.0.44.dev20260713+nightly
codegen_flags: <defaults>
</compile_context>

<pallas_src>
import functools

import jax
import jax.numpy as jnp
from jax import lax
from jax.experimental import pallas as pl
from jax.experimental.pallas import tpu as pltpu
from jax.experimental.pallas import tpu_sc as plsc

B = 16384
D = 32
L = 16
NUM_CORES = 2
NUM_SUBCORES = 16
NW = NUM_CORES * NUM_SUBCORES
BPW = B // NW
CH = 4
NCH = BPW // CH
HALF = D // 2

_mesh = plsc.VectorSubcoreMesh(core_axis_name="c", subcore_axis_name="s")


@functools.partial(
    pl.kernel,
    mesh=_mesh,
    out_type=jax.ShapeDtypeStruct((B,), jnp.float32),
    scratch_types=[
        pltpu.VMEM((BPW + L,), jnp.int32),
        pltpu.VMEM((BPW + L,), jnp.int32),
        pltpu.VMEM((2 * CH * D, 128), jnp.float32),
        pltpu.VMEM((2 * CH * D, 128), jnp.float32),
        pltpu.VMEM((HALF * BPW,), jnp.float32),
        pltpu.VMEM((BPW,), jnp.float32),
        pltpu.VMEM((BPW,), jnp.float32),
        pltpu.VMEM((BPW,), jnp.float32),
        pltpu.SemaphoreType.DMA,
        pltpu.SemaphoreType.DMA,
        pltpu.SemaphoreType.DMA,
    ],
    compiler_params=pltpu.CompilerParams(
        needs_layout_passes=False,
        disable_bounds_checks=True,
    ),
)
def _mf_sc(user_hbm, mission_hbm, uembT_hbm, membT_hbm, ubias_hbm, mbias_hbm,
           out_hbm, uidx_v, midx_v, ublk_v, mblk_v, prod_v, ub_v, mb_v, o_v,
           sem, sem_a, sem_b):
    wid = lax.axis_index("s") * NUM_CORES + lax.axis_index("c")
    base = wid * BPW

    pltpu.sync_copy(user_hbm.at[pl.ds(base, BPW)], uidx_v.at[pl.ds(0, BPW)])
    pltpu.sync_copy(mission_hbm.at[pl.ds(base, BPW)], midx_v.at[pl.ds(0, BPW)])
    uidx_v[pl.ds(BPW, L)] = jnp.zeros((L,), jnp.int32)
    midx_v[pl.ds(BPW, L)] = jnp.zeros((L,), jnp.int32)

    cp_ub = pltpu.async_copy(ubias_hbm.at[uidx_v.at[pl.ds(0, BPW)]], ub_v, sem)
    cp_mb = pltpu.async_copy(mbias_hbm.at[midx_v.at[pl.ds(0, BPW)]], mb_v, sem)
    cp_ub.wait()
    cp_mb.wait()

    iota = lax.iota(jnp.int32, L)

    def _fire(c, slot, semx):
        uvec = uidx_v[pl.ds(c * CH, L)]
        mvec = midx_v[pl.ds(c * CH, L)]
        for k in range(CH):
            ut = pl.multiple_of((uvec[k] >> 7) * 128, 128)
            mt = pl.multiple_of((mvec[k] >> 7) * 128, 128)
            row = (slot * CH + k) * D
            pltpu.async_copy(uembT_hbm.at[:, pl.ds(ut, 128)],
                             ublk_v.at[pl.ds(row, D)], semx)
            pltpu.async_copy(membT_hbm.at[:, pl.ds(mt, 128)],
                             mblk_v.at[pl.ds(row, D)], semx)

    def _drain(slot, semx):
        for k in range(CH):
            row = (slot * CH + k) * D
            pltpu.make_async_copy(uembT_hbm.at[:, pl.ds(0, 128)],
                                  ublk_v.at[pl.ds(row, D)], semx).wait()
            pltpu.make_async_copy(membT_hbm.at[:, pl.ds(0, 128)],
                                  mblk_v.at[pl.ds(row, D)], semx).wait()

    _fire(0, 0, sem_a)

    def chunk_body(c, carry):
        even = (c & 1) == 0
        more = c + 1 < NCH

        @pl.when(jnp.logical_and(even, more))
        def _():
            _fire(c + 1, 1, sem_b)

        @pl.when(jnp.logical_and(jnp.logical_not(even), more))
        def _():
            _fire(c + 1, 0, sem_a)

        @pl.when(even)
        def _():
            _drain(0, sem_a)

        @pl.when(jnp.logical_not(even))
        def _():
            _drain(1, sem_b)

        srow = (c & 1) * CH * D
        uvec = uidx_v[pl.ds(c * CH, L)]
        mvec = midx_v[pl.ds(c * CH, L)]
        for k in range(CH):
            ulane = jnp.broadcast_to(uvec[k] & 127, (L,))
            mlane = jnp.broadcast_to(mvec[k] & 127, (L,))
            u_lo = plsc.load_gather(ublk_v, [srow + k * D + iota, ulane])
            u_hi = plsc.load_gather(ublk_v, [srow + k * D + HALF + iota, ulane])
            m_lo = plsc.load_gather(mblk_v, [srow + k * D + iota, mlane])
            m_hi = plsc.load_gather(mblk_v, [srow + k * D + HALF + iota, mlane])
            p = u_lo * m_lo + u_hi * m_hi
            plsc.store_scatter(prod_v, [iota * BPW + (c * CH + k)], p)
        return carry

    lax.fori_loop(0, NCH, chunk_body, 0)

    def group_body(g, carry):
        sl = pl.ds(g * L, L)
        acc = ub_v[sl] + mb_v[sl]
        for j in range(HALF):
            acc = acc + prod_v[pl.ds(j * BPW + g * L, L)]
        o_v[sl] = acc
        return carry

    lax.fori_loop(0, BPW // L, group_body, 0)

    pltpu.sync_copy(o_v, out_hbm.at[pl.ds(base, BPW)])


def kernel(user, mission, user_embedding, mission_embedding, user_bias, mission_bias):
    uembT = user_embedding.T
    membT = mission_embedding.T
    ub = user_bias.reshape(-1)
    mb = mission_bias.reshape(-1)
    return _mf_sc(user, mission, uembT, membT, ub, mb)

# --- scband reference (transcript-rebuilt; emitter-appended) ---
"""Pipeline reference for scband-mf-15556371546972 (READ-ONLY COPY).

The authoritative reference and input builder live on the scoring server;
editing this copy changes nothing except your own understanding.
"""

import jax, jax.numpy as jnp
import numpy as np

NUM_USERS = 1000000
NUM_MISSIONS = 100000
EMBED_DIM = 32
BATCH = 16384

def _xavier_uniform(key, shape):
    fan_in, fan_out = shape[0], shape[1]
    limit = float(np.sqrt(6.0 / (fan_in + fan_out)))
    return jax.random.uniform(key, shape, dtype=jnp.float32, minval=-limit, maxval=limit)

def setup_inputs(seed: int = 0) -> dict:
    key = jax.random.key(seed)
    k_u, k_m, k_ue, k_me = jax.random.split(key, 4)
    user = jax.random.randint(k_u, (BATCH,), 0, NUM_USERS, dtype=jnp.int64 if jax.config.jax_enable_x64 else jnp.int32).astype(jnp.int32)
    mission = jax.random.randint(k_m, (BATCH,), 0, NUM_MISSIONS).astype(jnp.int32)
    user_embedding = _xavier_uniform(k_ue, (NUM_USERS, EMBED_DIM))
    mission_embedding = _xavier_uniform(k_me, (NUM_MISSIONS, EMBED_DIM))
    user_bias = jnp.zeros((NUM_USERS, 1), dtype=jnp.float32)
    mission_bias = jnp.zeros((NUM_MISSIONS, 1), dtype=jnp.float32)
    return {
        "user": user,
        "mission": mission,
        "user_embedding": user_embedding,
        "mission_embedding": mission_embedding,
        "user_bias": user_bias,
        "mission_bias": mission_bias,
    }

def reference(user, mission, user_embedding, mission_embedding, user_bias, mission_bias):
    user_emb = jnp.take(user_embedding, user, axis=0)          # [B, D]
    mission_emb = jnp.take(mission_embedding, mission, axis=0)  # [B, D]
    u_bias = jnp.take(user_bias, user, axis=0)                  # [B, 1]
    m_bias = jnp.take(mission_bias, mission, axis=0)            # [B, 1]
    dot = jnp.sum(user_emb * mission_emb, axis=1, keepdims=True) + u_bias + m_bias  # [B, 1]
    return jnp.squeeze(dot, axis=-1)  # [B]

if __name__ == "__main__":
    import jax
    _d = setup_inputs()
    print(jax.jit(kernel)(*tuple(_d.values())))

</pallas_src>

<mosaic_0001>
#map = affine_map<(d0, d1) -> (0)>
#map1 = affine_map<(d0, d1) -> (0, 0)>
module attributes {stable_mosaic.version = 14 : i64} {
  func.func @_mf_sc(%arg0: i32, %arg1: i32, %arg2: memref<16384xi32, #tpu.memory_space<hbm>>, %arg3: memref<16384xi32, #tpu.memory_space<hbm>>, %arg4: memref<32x1000000xf32, #tpu.memory_space<hbm>>, %arg5: memref<32x100000xf32, #tpu.memory_space<hbm>>, %arg6: memref<1000000xf32, #tpu.memory_space<hbm>>, %arg7: memref<100000xf32, #tpu.memory_space<hbm>>, %arg8: memref<16384xf32, #tpu.memory_space<hbm>>, %arg9: memref<528xi32, #tpu.memory_space<vmem>>, %arg10: memref<528xi32, #tpu.memory_space<vmem>>, %arg11: memref<256x128xf32, #tpu.memory_space<vmem>>, %arg12: memref<256x128xf32, #tpu.memory_space<vmem>>, %arg13: memref<8192xf32, #tpu.memory_space<vmem>>, %arg14: memref<512xf32, #tpu.memory_space<vmem>>, %arg15: memref<512xf32, #tpu.memory_space<vmem>>, %arg16: memref<512xf32, #tpu.memory_space<vmem>>, %arg17: memref<!tpu.dma_semaphore, #tpu.memory_space<semaphore_mem>>, %arg18: memref<!tpu.dma_semaphore, #tpu.memory_space<semaphore_mem>>, %arg19: memref<!tpu.dma_semaphore, #tpu.memory_space<semaphore_mem>>) attributes {dimension_semantics = [#tpu.dimension_semantics<core_parallel>, #tpu.dimension_semantics<subcore_parallel>], iteration_bounds = array<i64: 2, 16>, scalar_prefetch = 0 : i64, scratch_operands = 11 : i64, tpu.core_type = #tpu.core_type<sc_vector_subcore>, window_params = [{transform_indices = #map}, {transform_indices = #map}, {transform_indices = #map1}, {transform_indices = #map1}, {transform_indices = #map}, {transform_indices = #map}, {transform_indices = #map}]} {
    %mul3A = arith.constant 2 : i32
    %mul3A_0 = arith.muli %arg1, %mul3A : i32
    %add3A = arith.addi %mul3A_0, %arg0 : i32
    %mul3A_1 = arith.constant 512 : i32
    %mul3A_2 = arith.muli %add3A, %mul3A_1 : i32
    "tpu.region"() ({
      %run_scoped3A = tpu.sem_alloc : memref<!tpu.dma_semaphore, #tpu.memory_space<semaphore_mem>>
      %dma_start3A_169 = arith.constant 0 : i32
      %dma_start3A_170 = tpu.memref_slice %arg9[%dma_start3A_169] : memref<528xi32, #tpu.memory_space<vmem>> -> memref<512xi32, #tpu.memory_space<vmem>>
      %dma_start3A_171 = tpu.memref_slice %arg2[%mul3A_2] : memref<16384xi32, #tpu.memory_space<hbm>> -> memref<512xi32, #tpu.memory_space<hbm>>
      %dma_start3A_172 = arith.constant 0 : i32
      %dma_start3A_173 = tpu.memref_slice %arg9[%dma_start3A_172] : memref<528xi32, #tpu.memory_space<vmem>> -> memref<512xi32, #tpu.memory_space<vmem>>
      %dma_start3A_174 = tpu.memref_slice %arg2[%mul3A_2] : memref<16384xi32, #tpu.memory_space<hbm>> -> memref<512xi32, #tpu.memory_space<hbm>>
      tpu.enqueue_dma source(%dma_start3A_174 : memref<512xi32, #tpu.memory_space<hbm>>) target(%dma_start3A_173 : memref<512xi32, #tpu.memory_space<vmem>>) target_semaphore(%run_scoped3A : memref<!tpu.dma_semaphore, #tpu.memory_space<semaphore_mem>>)
      %dma_wait3A_175 = arith.constant 0 : i32
      %dma_wait3A_176 = tpu.memref_slice %arg9[%dma_wait3A_175] : memref<528xi32, #tpu.memory_space<vmem>> -> memref<512xi32, #tpu.memory_space<vmem>>
      %dma_wait3A_177 = tpu.memref_slice %arg2[%mul3A_2] : memref<16384xi32, #tpu.memory_space<hbm>> -> memref<512xi32, #tpu.memory_space<hbm>>
      %dma_wait3A_178 = arith.constant 0 : i32
      %dma_wait3A_179 = tpu.memref_slice %arg9[%dma_wait3A_178] : memref<528xi32, #tpu.memory_space<vmem>> -> memref<512xi32, #tpu.memory_space<vmem>>
      %dma_wait3A_180 = tpu.memref_slice %arg2[%mul3A_2] : memref<16384xi32, #tpu.memory_space<hbm>> -> memref<512xi32, #tpu.memory_space<hbm>>
      tpu.wait_dma2 semaphore(%run_scoped3A : memref<!tpu.dma_semaphore, #tpu.memory_space<semaphore_mem>>) src(%dma_wait3A_180 : memref<512xi32, #tpu.memory_space<hbm>>) dst(%dma_wait3A_179 : memref<512xi32, #tpu.memory_space<vmem>>)
      tpu.yield
    }) : () -> ()
    "tpu.region"() ({
      %run_scoped3A = tpu.sem_alloc : memref<!tpu.dma_semaphore, #tpu.memory_space<semaphore_mem>>
      %dma_start3A_169 = arith.constant 0 : i32
      %dma_start3A_170 = tpu.memref_slice %arg10[%dma_start3A_169] : memref<528xi32, #tpu.memory_space<vmem>> -> memref<512xi32, #tpu.memory_space<vmem>>
      %dma_start3A_171 = tpu.memref_slice %arg3[%mul3A_2] : memref<16384xi32, #tpu.memory_space<hbm>> -> memref<512xi32, #tpu.memory_space<hbm>>
      %dma_start3A_172 = arith.constant 0 : i32
      %dma_start3A_173 = tpu.memref_slice %arg10[%dma_start3A_172] : memref<528xi32, #tpu.memory_space<vmem>> -> memref<512xi32, #tpu.memory_space<vmem>>
      %dma_start3A_174 = tpu.memref_slice %arg3[%mul3A_2] : memref<16384xi32, #tpu.memory_space<hbm>> -> memref<512xi32, #tpu.memory_space<hbm>>
      tpu.enqueue_dma source(%dma_start3A_174 : memref<512xi32, #tpu.memory_space<hbm>>) target(%dma_start3A_173 : memref<512xi32, #tpu.memory_space<vmem>>) target_semaphore(%run_scoped3A : memref<!tpu.dma_semaphore, #tpu.memory_space<semaphore_mem>>)
      %dma_wait3A_175 = arith.constant 0 : i32
      %dma_wait3A_176 = tpu.memref_slice %arg10[%dma_wait3A_175] : memref<528xi32, #tpu.memory_space<vmem>> -> memref<512xi32, #tpu.memory_space<vmem>>
      %dma_wait3A_177 = tpu.memref_slice %arg3[%mul3A_2] : memref<16384xi32, #tpu.memory_space<hbm>> -> memref<512xi32, #tpu.memory_space<hbm>>
      %dma_wait3A_178 = arith.constant 0 : i32
      %dma_wait3A_179 = tpu.memref_slice %arg10[%dma_wait3A_178] : memref<528xi32, #tpu.memory_space<vmem>> -> memref<512xi32, #tpu.memory_space<vmem>>
      %dma_wait3A_180 = tpu.memref_slice %arg3[%mul3A_2] : memref<16384xi32, #tpu.memory_space<hbm>> -> memref<512xi32, #tpu.memory_space<hbm>>
      tpu.wait_dma2 semaphore(%run_scoped3A : memref<!tpu.dma_semaphore, #tpu.memory_space<semaphore_mem>>) src(%dma_wait3A_180 : memref<512xi32, #tpu.memory_space<hbm>>) dst(%dma_wait3A_179 : memref<512xi32, #tpu.memory_space<vmem>>)
      tpu.yield
    }) : () -> ()
    %broadcast_in_dim3A = arith.constant 0 : i32
    %broadcast_in_dim3A_3 = vector.broadcast %broadcast_in_dim3A : i32 to vector<16xi32>
    %swap3A = arith.constant 512 : index
    %swap3A_4 = tpu.vector_load %arg9[%swap3A] {strides = array<i32>} : memref<528xi32, #tpu.memory_space<vmem>>, vector<16xi32>,
    tpu.vector_store %arg9[%swap3A], %broadcast_in_dim3A_3 {strides = array<i32>} : memref<528xi32, #tpu.memory_space<vmem>>, vector<16xi32>,
    %broadcast_in_dim3A_5 = arith.constant 0 : i32
    %broadcast_in_dim3A_6 = vector.broadcast %broadcast_in_dim3A_5 : i32 to vector<16xi32>
    %swap3A_7 = arith.constant 512 : index
    %swap3A_8 = tpu.vector_load %arg10[%swap3A_7] {strides = array<i32>} : memref<528xi32, #tpu.memory_space<vmem>>, vector<16xi32>,
    tpu.vector_store %arg10[%swap3A_7], %broadcast_in_dim3A_6 {strides = array<i32>} : memref<528xi32, #tpu.memory_space<vmem>>, vector<16xi32>,
    %dma_start3A = arith.constant 0 : i32
    %dma_start3A_9 = tpu.memref_slice %arg9[%dma_start3A] : memref<528xi32, #tpu.memory_space<vmem>> -> memref<512xi32, #tpu.memory_space<vmem>>
    %dma_start3A_10 = arith.constant 0 : i32
    %dma_start3A_11 = tpu.memref_slice %arg6[%dma_start3A_10] : memref<1000000xf32, #tpu.memory_space<hbm>> -> memref<1000000xf32, #tpu.memory_space<hbm>>
    tpu.enqueue_indirect_dma source(%dma_start3A_11 : memref<1000000xf32, #tpu.memory_space<hbm>>) target(%arg14 : memref<512xf32, #tpu.memory_space<vmem>>) offsets(%dma_start3A_9 : memref<512xi32, #tpu.memory_space<vmem>>) semaphore(%arg17 : memref<!tpu.dma_semaphore, #tpu.memory_space<semaphore_mem>>)
    %dma_start3A_12 = arith.constant 0 : i32
    %dma_start3A_13 = tpu.memref_slice %arg10[%dma_start3A_12] : memref<528xi32, #tpu.memory_space<vmem>> -> memref<512xi32, #tpu.memory_space<vmem>>
    %dma_start3A_14 = arith.constant 0 : i32
    %dma_start3A_15 = tpu.memref_slice %arg7[%dma_start3A_14] : memref<100000xf32, #tpu.memory_space<hbm>> -> memref<100000xf32, #tpu.memory_space<hbm>>
    tpu.enqueue_indirect_dma source(%dma_start3A_15 : memref<100000xf32, #tpu.memory_space<hbm>>) target(%arg15 : memref<512xf32, #tpu.memory_space<vmem>>) offsets(%dma_start3A_13 : memref<512xi32, #tpu.memory_space<vmem>>) semaphore(%arg17 : memref<!tpu.dma_semaphore, #tpu.memory_space<semaphore_mem>>)
    %dma_wait3A = arith.constant 0 : i32
    %dma_wait3A_16 = tpu.memref_slice %arg9[%dma_wait3A] : memref<528xi32, #tpu.memory_space<vmem>> -> memref<512xi32, #tpu.memory_space<vmem>>
    %dma_wait3A_17 = arith.constant 0 : i32
    %dma_wait3A_18 = tpu.memref_slice %arg6[%dma_wait3A_17] : memref<1000000xf32, #tpu.memory_space<hbm>> -> memref<1000000xf32, #tpu.memory_space<hbm>>
    tpu.wait_indirect_dma semaphore(%arg17 : memref<!tpu.dma_semaphore, #tpu.memory_space<semaphore_mem>>) src(%dma_wait3A_18 : memref<1000000xf32, #tpu.memory_space<hbm>>) dst(%arg14 : memref<512xf32, #tpu.memory_space<vmem>>)
    %dma_wait3A_19 = arith.constant 0 : i32
    %dma_wait3A_20 = tpu.memref_slice %arg10[%dma_wait3A_19] : memref<528xi32, #tpu.memory_space<vmem>> -> memref<512xi32, #tpu.memory_space<vmem>>
    %dma_wait3A_21 = arith.constant 0 : i32
    %dma_wait3A_22 = tpu.memref_slice %arg7[%dma_wait3A_21] : memref<100000xf32, #tpu.memory_space<hbm>> -> memref<100000xf32, #tpu.memory_space<hbm>>
    tpu.wait_indirect_dma semaphore(%arg17 : memref<!tpu.dma_semaphore, #tpu.memory_space<semaphore_mem>>) src(%dma_wait3A_22 : memref<100000xf32, #tpu.memory_space<hbm>>) dst(%arg15 : memref<512xf32, #tpu.memory_space<vmem>>)
    %iota3A = tpu.iota {dimensions = array<i32: 0>} : vector<16xi32>
    %get3A = arith.constant 0 : index
    %get3A_23 = tpu.vector_load %arg9[%get3A] {strides = array<i32>} : memref<528xi32, #tpu.memory_space<vmem>>, vector<16xi32>,
    %get3A_24 = arith.constant 0 : index
    %get3A_25 = tpu.vector_load %arg10[%get3A_24] {strides = array<i32>} : memref<528xi32, #tpu.memory_space<vmem>>, vector<16xi32>,
    %slice3A = vector.extract_strided_slice %get3A_23 {offsets = [0], sizes = [1], strides = [1]} : vector<16xi32> to vector<1xi32>
    %squeeze3A = vector.extract %slice3A[0] : i32 from vector<1xi32>
    %shift_right_arithmetic3A = arith.constant 7 : i32
    %shift_right_arithmetic3A_26 = arith.shrsi %squeeze3A, %shift_right_arithmetic3A : i32
    %mul3A_27 = arith.constant 128 : i32
    %mul3A_28 = arith.muli %shift_right_arithmetic3A_26, %mul3A_27 : i32
    %multiple_of3A = tpu.assume_multiple %mul3A_28, 128 : i32
    %slice3A_29 = vector.extract_strided_slice %get3A_25 {offsets = [0], sizes = [1], strides = [1]} : vector<16xi32> to vector<1xi32>
    %squeeze3A_30 = vector.extract %slice3A_29[0] : i32 from vector<1xi32>
    %shift_right_arithmetic3A_31 = arith.constant 7 : i32
    %shift_right_arithmetic3A_32 = arith.shrsi %squeeze3A_30, %shift_right_arithmetic3A_31 : i32
    %mul3A_33 = arith.constant 128 : i32
    %mul3A_34 = arith.muli %shift_right_arithmetic3A_32, %mul3A_33 : i32
    %multiple_of3A_35 = tpu.assume_multiple %mul3A_34, 128 : i32
    %dma_start3A_36 = arith.constant 0 : i32
    %dma_start3A_37 = arith.constant 0 : i32
    %dma_start3A_38 = tpu.memref_slice %arg11[%dma_start3A_36, %dma_start3A_37] : memref<256x128xf32, #tpu.memory_space<vmem>> -> memref<32x128xf32, #tpu.memory_space<vmem>>
    %dma_start3A_39 = arith.constant 0 : i32
    %dma_start3A_40 = tpu.memref_slice %arg4[%dma_start3A_39, %multiple_of3A] : memref<32x1000000xf32, #tpu.memory_space<hbm>> -> memref<32x128xf32, #tpu.memory_space<hbm>>
    %dma_start3A_41 = arith.constant 0 : i32
    %dma_start3A_42 = arith.constant 0 : i32
    %dma_start3A_43 = tpu.memref_slice %arg11[%dma_start3A_41, %dma_start3A_42] : memref<256x128xf32, #tpu.memory_space<vmem>> -> memref<32x128xf32, #tpu.memory_space<vmem>>
    %dma_start3A_44 = arith.constant 0 : i32
    %dma_start3A_45 = tpu.memref_slice %arg4[%dma_start3A_44, %multiple_of3A] : memref<32x1000000xf32, #tpu.memory_space<hbm>> -> memref<32x128xf32, #tpu.memory_space<hbm>>
    tpu.enqueue_dma source(%dma_start3A_45 : memref<32x128xf32, #tpu.memory_space<hbm>>) target(%dma_start3A_43 : memref<32x128xf32, #tpu.memory_space<vmem>>) target_semaphore(%arg18 : memref<!tpu.dma_semaphore, #tpu.memory_space<semaphore_mem>>)
    %dma_start3A_46 = arith.constant 0 : i32
    %dma_start3A_47 = arith.constant 0 : i32
    %dma_start3A_48 = tpu.memref_slice %arg12[%dma_start3A_46, %dma_start3A_47] : memref<256x128xf32, #tpu.memory_space<vmem>> -> memref<32x128xf32, #tpu.memory_space<vmem>>
    %dma_start3A_49 = arith.constant 0 : i32
    %dma_start3A_50 = tpu.memref_slice %arg5[%dma_start3A_49, %multiple_of3A_35] : memref<32x100000xf32, #tpu.memory_space<hbm>> -> memref<32x128xf32, #tpu.memory_space<hbm>>
    %dma_start3A_51 = arith.constant 0 : i32
    %dma_start3A_52 = arith.constant 0 : i32
    %dma_start3A_53 = tpu.memref_slice %arg12[%dma_start3A_51, %dma_start3A_52] : memref<256x128xf32, #tpu.memory_space<vmem>> -> memref<32x128xf32, #tpu.memory_space<vmem>>
    %dma_start3A_54 = arith.constant 0 : i32
    %dma_start3A_55 = tpu.memref_slice %arg5[%dma_start3A_54, %multiple_of3A_35] : memref<32x100000xf32, #tpu.memory_space<hbm>> -> memref<32x128xf32, #tpu.memory_space<hbm>>
    tpu.enqueue_dma source(%dma_start3A_55 : memref<32x128xf32, #tpu.memory_space<hbm>>) target(%dma_start3A_53 : memref<32x128xf32, #tpu.memory_space<vmem>>) target_semaphore(%arg18 : memref<!tpu.dma_semaphore, #tpu.memory_space<semaphore_mem>>)
    %slice3A_56 = vector.extract_strided_slice %get3A_23 {offsets = [1], sizes = [1], strides = [1]} : vector<16xi32> to vector<1xi32>
    %squeeze3A_57 = vector.extract %slice3A_56[0] : i32 from vector<1xi32>
    %shift_right_arithmetic3A_58 = arith.constant 7 : i32
    %shift_right_arithmetic3A_59 = arith.shrsi %squeeze3A_57, %shift_right_arithmetic3A_58 : i32
    %mul3A_60 = arith.constant 128 : i32
    %mul3A_61 = arith.muli %shift_right_arithmetic3A_59, %mul3A_60 : i32
    %multiple_of3A_62 = tpu.assume_multiple %mul3A_61, 128 : i32
    %slice3A_63 = vector.extract_strided_slice %get3A_25 {offsets = [1], sizes = [1], strides = [1]} : vector<16xi32> to vector<1xi32>
    %squeeze3A_64 = vector.extract %slice3A_63[0] : i32 from vector<1xi32>
    %shift_right_arithmetic3A_65 = arith.constant 7 : i32
    %shift_right_arithmetic3A_66 = arith.shrsi %squeeze3A_64, %shift_right_arithmetic3A_65 : i32
    %mul3A_67 = arith.constant 128 : i32
    %mul3A_68 = arith.muli %shift_right_arithmetic3A_66, %mul3A_67 : i32
    %multiple_of3A_69 = tpu.assume_multiple %mul3A_68, 128 : i32
    %dma_start3A_70 = arith.constant 32 : i32
    %dma_start3A_71 = arith.constant 0 : i32
    %dma_start3A_72 = tpu.memref_slice %arg11[%dma_start3A_70, %dma_start3A_71] : memref<256x128xf32, #tpu.memory_space<vmem>> -> memref<32x128xf32, #tpu.memory_space<vmem>>
    %dma_start3A_73 = arith.constant 0 : i32
    %dma_start3A_74 = tpu.memref_slice %arg4[%dma_start3A_73, %multiple_of3A_62] : memref<32x1000000xf32, #tpu.memory_space<hbm>> -> memref<32x128xf32, #tpu.memory_space<hbm>>
    %dma_start3A_75 = arith.constant 32 : i32
    %dma_start3A_76 = arith.constant 0 : i32
    %dma_start3A_77 = tpu.memref_slice %arg11[%dma_start3A_75, %dma_start3A_76] : memref<256x128xf32, #tpu.memory_space<vmem>> -> memref<32x128xf32, #tpu.memory_space<vmem>>
    %dma_start3A_78 = arith.constant 0 : i32
    %dma_start3A_79 = tpu.memref_slice %arg4[%dma_start3A_78, %multiple_of3A_62] : memref<32x1000000xf32, #tpu.memory_space<hbm>> -> memref<32x128xf32, #tpu.memory_space<hbm>>
    tpu.enqueue_dma source(%dma_start3A_79 : memref<32x128xf32, #tpu.memory_space<hbm>>) target(%dma_start3A_77 : memref<32x128xf32, #tpu.memory_space<vmem>>) target_semaphore(%arg18 : memref<!tpu.dma_semaphore, #tpu.memory_space<semaphore_mem>>)
    %dma_start3A_80 = arith.constant 32 : i32
    %dma_start3A_81 = arith.constant 0 : i32
    %dma_start3A_82 = tpu.memref_slice %arg12[%dma_start3A_80, %dma_start3A_81] : memref<256x128xf32, #tpu.memory_space<vmem>> -> memref<32x128xf32, #tpu.memory_space<vmem>>
    %dma_start3A_83 = arith.constant 0 : i32
    %dma_start3A_84 = tpu.memref_slice %arg5[%dma_start3A_83, %multiple_of3A_69] : memref<32x100000xf32, #tpu.memory_space<hbm>> -> memref<32x128xf32, #tpu.memory_space<hbm>>
    %dma_start3A_85 = arith.constant 32 : i32
    %dma_start3A_86 = arith.constant 0 : i32
    %dma_start3A_87 = tpu.memref_slice %arg12[%dma_start3A_85, %dma_start3A_86] : memref<256x128xf32, #tpu.memory_space<vmem>> -> memref<32x128xf32, #tpu.memory_space<vmem>>
    %dma_start3A_88 = arith.constant 0 : i32
    %dma_start3A_89 = tpu.memref_slice %arg5[%dma_start3A_88, %multiple_of3A_69] : memref<32x100000xf32, #tpu.memory_space<hbm>> -> memref<32x128xf32, #tpu.memory_space<hbm>>
    tpu.enqueue_dma source(%dma_start3A_89 : memref<32x128xf32, #tpu.memory_space<hbm>>) target(%dma_start3A_87 : memref<32x128xf32, #tpu.memory_space<vmem>>) target_semaphore(%arg18 : memref<!tpu.dma_semaphore, #tpu.memory_space<semaphore_mem>>)
    %slice3A_90 = vector.extract_strided_slice %get3A_23 {offsets = [2], sizes = [1], strides = [1]} : vector<16xi32> to vector<1xi32>
    %squeeze3A_91 = vector.extract %slice3A_90[0] : i32 from vector<1xi32>
    %shift_right_arithmetic3A_92 = arith.constant 7 : i32
    %shift_right_arithmetic3A_93 = arith.shrsi %squeeze3A_91, %shift_right_arithmetic3A_92 : i32
    %mul3A_94 = arith.constant 128 : i32
    %mul3A_95 = arith.muli %shift_right_arithmetic3A_93, %mul3A_94 : i32
    %multiple_of3A_96 = tpu.assume_multiple %mul3A_95, 128 : i32
    %slice3A_97 = vector.extract_strided_slice %get3A_25 {offsets = [2], sizes = [1], strides = [1]} : vector<16xi32> to vector<1xi32>
    %squeeze3A_98 = vector.extract %slice3A_97[0] : i32 from vector<1xi32>
    %shift_right_arithmetic3A_99 = arith.constant 7 : i32
    %shift_right_arithmetic3A_100 = arith.shrsi %squeeze3A_98, %shift_right_arithmetic3A_99 : i32
    %mul3A_101 = arith.constant 128 : i32
    %mul3A_102 = arith.muli %shift_right_arithmetic3A_100, %mul3A_101 : i32
    %multiple_of3A_103 = tpu.assume_multiple %mul3A_102, 128 : i32
    %dma_start3A_104 = arith.constant 64 : i32
    %dma_start3A_105 = arith.constant 0 : i32
    %dma_start3A_106 = tpu.memref_slice %arg11[%dma_start3A_104, %dma_start3A_105] : memref<256x128xf32, #tpu.memory_space<vmem>> -> memref<32x128xf32, #tpu.memory_space<vmem>>
    %dma_start3A_107 = arith.constant 0 : i32
    %dma_start3A_108 = tpu.memref_slice %arg4[%dma_start3A_107, %multiple_of3A_96] : memref<32x1000000xf32, #tpu.memory_space<hbm>> -> memref<32x128xf32, #tpu.memory_space<hbm>>
    %dma_start3A_109 = arith.constant 64 : i32
    %dma_start3A_110 = arith.constant 0 : i32
    %dma_start3A_111 = tpu.memref_slice %arg11[%dma_start3A_109, %dma_start3A_110] : memref<256x128xf32, #tpu.memory_space<vmem>> -> memref<32x128xf32, #tpu.memory_space<vmem>>
    %dma_start3A_112 = arith.constant 0 : i32
    %dma_start3A_113 = tpu.memref_slice %arg4[%dma_start3A_112, %multiple_of3A_96] : memref<32x1000000xf32, #tpu.memory_space<hbm>> -> memref<32x128xf32, #tpu.memory_space<hbm>>
    tpu.enqueue_dma source(%dma_start3A_113 : memref<32x128xf32, #tpu.memory_space<hbm>>) target(%dma_start3A_111 : memref<32x128xf32, #tpu.memory_space<vmem>>) target_semaphore(%arg18 : memref<!tpu.dma_semaphore, #tpu.memory_space<semaphore_mem>>)
    %dma_start3A_114 = arith.constant 64 : i32
    %dma_start3A_115 = arith.constant 0 : i32
    %dma_start3A_116 = tpu.memref_slice %arg12[%dma_start3A_114, %dma_start3A_115] : memref<256x128xf32, #tpu.memory_space<vmem>> -> memref<32x128xf32, #tpu.memory_space<vmem>>
    %dma_start3A_117 = arith.constant 0 : i32
    %dma_start3A_118 = tpu.memref_slice %arg5[%dma_start3A_117, %multiple_of3A_103] : memref<32x100000xf32, #tpu.memory_space<hbm>> -> memref<32x128xf32, #tpu.memory_space<hbm>>
    %dma_start3A_119 = arith.constant 64 : i32
    %dma_start3A_120 = arith.constant 0 : i32
    %dma_start3A_121 = tpu.memref_slice %arg12[%dma_start3A_119, %dma_start3A_120] : memref<256x128xf32, #tpu.memory_space<vmem>> -> memref<32x128xf32, #tpu.memory_space<vmem>>
    %dma_start3A_122 = arith.constant 0 : i32
    %dma_start3A_123 = tpu.memref_slice %arg5[%dma_start3A_122, %multiple_of3A_103] : memref<32x100000xf32, #tpu.memory_space<hbm>> -> memref<32x128xf32, #tpu.memory_space<hbm>>
    tpu.enqueue_dma source(%dma_start3A_123 : memref<32x128xf32, #tpu.memory_space<hbm>>) target(%dma_start3A_121 : memref<32x128xf32, #tpu.memory_space<vmem>>) target_semaphore(%arg18 : memref<!tpu.dma_semaphore, #tpu.memory_space<semaphore_mem>>)
    %slice3A_124 = vector.extract_strided_slice %get3A_23 {offsets = [3], sizes = [1], strides = [1]} : vector<16xi32> to vector<1xi32>
    %squeeze3A_125 = vector.extract %slice3A_124[0] : i32 from vector<1xi32>
    %shift_right_arithmetic3A_126 = arith.constant 7 : i32
    %shift_right_arithmetic3A_127 = arith.shrsi %squeeze3A_125, %shift_right_arithmetic3A_126 : i32
    %mul3A_128 = arith.constant 128 : i32
    %mul3A_129 = arith.muli %shift_right_arithmetic3A_127, %mul3A_128 : i32
    %multiple_of3A_130 = tpu.assume_multiple %mul3A_129, 128 : i32
    %slice3A_131 = vector.extract_strided_slice %get3A_25 {offsets = [3], sizes = [1], strides = [1]} : vector<16xi32> to vector<1xi32>
    %squeeze3A_132 = vector.extract %slice3A_131[0] : i32 from vector<1xi32>
    %shift_right_arithmetic3A_133 = arith.constant 7 : i32
    %shift_right_arithmetic3A_134 = arith.shrsi %squeeze3A_132, %shift_right_arithmetic3A_133 : i32
    %mul3A_135 = arith.constant 128 : i32
    %mul3A_136 = arith.muli %shift_right_arithmetic3A_134, %mul3A_135 : i32
    %multiple_of3A_137 = tpu.assume_multiple %mul3A_136, 128 : i32
    %dma_start3A_138 = arith.constant 96 : i32
    %dma_start3A_139 = arith.constant 0 : i32
    %dma_start3A_140 = tpu.memref_slice %arg11[%dma_start3A_138, %dma_start3A_139] : memref<256x128xf32, #tpu.memory_space<vmem>> -> memref<32x128xf32, #tpu.memory_space<vmem>>
    %dma_start3A_141 = arith.constant 0 : i32
    %dma_start3A_142 = tpu.memref_slice %arg4[%dma_start3A_141, %multiple_of3A_130] : memref<32x1000000xf32, #tpu.memory_space<hbm>> -> memref<32x128xf32, #tpu.memory_space<hbm>>
    %dma_start3A_143 = arith.constant 96 : i32
    %dma_start3A_144 = arith.constant 0 : i32
    %dma_start3A_145 = tpu.memref_slice %arg11[%dma_start3A_143, %dma_start3A_144] : memref<256x128xf32, #tpu.memory_space<vmem>> -> memref<32x128xf32, #tpu.memory_space<vmem>>
    %dma_start3A_146 = arith.constant 0 : i32
    %dma_start3A_147 = tpu.memref_slice %arg4[%dma_start3A_146, %multiple_of3A_130] : memref<32x1000000xf32, #tpu.memory_space<hbm>> -> memref<32x128xf32, #tpu.memory_space<hbm>>
    tpu.enqueue_dma source(%dma_start3A_147 : memref<32x128xf32, #tpu.memory_space<hbm>>) target(%dma_start3A_145 : memref<32x128xf32, #tpu.memory_space<vmem>>) target_semaphore(%arg18 : memref<!tpu.dma_semaphore, #tpu.memory_space<semaphore_mem>>)
    %dma_start3A_148 = arith.constant 96 : i32
    %dma_start3A_149 = arith.constant 0 : i32
    %dma_start3A_150 = tpu.memref_slice %arg12[%dma_start3A_148, %dma_start3A_149] : memref<256x128xf32, #tpu.memory_space<vmem>> -> memref<32x128xf32, #tpu.memory_space<vmem>>
    %dma_start3A_151 = arith.constant 0 : i32
    %dma_start3A_152 = tpu.memref_slice %arg5[%dma_start3A_151, %multiple_of3A_137] : memref<32x100000xf32, #tpu.memory_space<hbm>> -> memref<32x128xf32, #tpu.memory_space<hbm>>
    %dma_start3A_153 = arith.constant 96 : i32
    %dma_start3A_154 = arith.constant 0 : i32
    %dma_start3A_155 = tpu.memref_slice %arg12[%dma_start3A_153, %dma_start3A_154] : memref<256x128xf32, #tpu.memory_space<vmem>> -> memref<32x128xf32, #tpu.memory_space<vmem>>
    %dma_start3A_156 = arith.constant 0 : i32
    %dma_start3A_157 = tpu.memref_slice %arg5[%dma_start3A_156, %multiple_of3A_137] : memref<32x100000xf32, #tpu.memory_space<hbm>> -> memref<32x128xf32, #tpu.memory_space<hbm>>
    tpu.enqueue_dma source(%dma_start3A_157 : memref<32x128xf32, #tpu.memory_space<hbm>>) target(%dma_start3A_155 : memref<32x128xf32, #tpu.memory_space<vmem>>) target_semaphore(%arg18 : memref<!tpu.dma_semaphore, #tpu.memory_space<semaphore_mem>>)
    %scan3A = arith.constant 0 : i32
    %scan3A_158 = arith.constant 0 : i32
    %scan3A_159 = arith.constant 128 : i32
    %scan3A_160 = arith.addi %scan3A_158, %scan3A_159 : i32
    %scan3A_161 = arith.constant 1 : i32
    scf.for %scan3A_169 = %scan3A_158 to %scan3A_160 step %scan3A_161  : i32 {
      %and3A = arith.constant 1 : i32
      %and3A_170 = arith.andi %scan3A_169, %and3A : i32
      %eq3A = arith.constant 0 : i32
      %eq3A_171 = arith.cmpi eq, %and3A_170, %eq3A : i32
      %add3A_172 = arith.constant 1 : i32
      %add3A_173 = arith.addi %scan3A_169, %add3A_172 : i32
      %lt3A = arith.constant 128 : i32
      %lt3A_174 = arith.cmpi slt, %add3A_173, %lt3A : i32
      %and3A_175 = arith.andi %eq3A_171, %lt3A_174 : i1
      %convert_element_type3A = arith.extui %and3A_175 : i1 to i32
      %cond3A = arith.constant 0 : i32
      %cond3A_176 = arith.cmpi ne, %convert_element_type3A, %cond3A : i32
      scf.if %cond3A_176 {
        %add3A_387 = arith.constant 1 : i32
        %add3A_388 = arith.addi %scan3A_169, %add3A_387 : i32
        %mul3A_389 = arith.constant 4 : i32
        %mul3A_390 = arith.muli %add3A_388, %mul3A_389 : i32
        %get3A_391 = arith.index_cast %mul3A_390 : i32 to index
        %get3A_392 = tpu.vector_load %arg9[%get3A_391] {strides = array<i32>} : memref<528xi32, #tpu.memory_space<vmem>>, vector<16xi32>,
        %mul3A_393 = arith.constant 4 : i32
        %mul3A_394 = arith.muli %add3A_388, %mul3A_393 : i32
        %get3A_395 = arith.index_cast %mul3A_394 : i32 to index
        %get3A_396 = tpu.vector_load %arg10[%get3A_395] {strides = array<i32>} : memref<528xi32, #tpu.memory_space<vmem>>, vector<16xi32>,
        %slice3A_397 = vector.extract_strided_slice %get3A_392 {offsets = [0], sizes = [1], strides = [1]} : vector<16xi32> to vector<1xi32>
        %squeeze3A_398 = vector.extract %slice3A_397[0] : i32 from vector<1xi32>
        %shift_right_arithmetic3A_399 = arith.constant 7 : i32
        %shift_right_arithmetic3A_400 = arith.shrsi %squeeze3A_398, %shift_right_arithmetic3A_399 : i32
        %mul3A_401 = arith.constant 128 : i32
        %mul3A_402 = arith.muli %shift_right_arithmetic3A_400, %mul3A_401 : i32
        %multiple_of3A_403 = tpu.assume_multiple %mul3A_402, 128 : i32
        %slice3A_404 = vector.extract_strided_slice %get3A_396 {offsets = [0], sizes = [1], strides = [1]} : vector<16xi32> to vector<1xi32>
        %squeeze3A_405 = vector.extract %slice3A_404[0] : i32 from vector<1xi32>
        %shift_right_arithmetic3A_406 = arith.constant 7 : i32
        %shift_right_arithmetic3A_407 = arith.shrsi %squeeze3A_405, %shift_right_arithmetic3A_406 : i32
        %mul3A_408 = arith.constant 128 : i32
        %mul3A_409 = arith.muli %shift_right_arithmetic3A_407, %mul3A_408 : i32
        %multiple_of3A_410 = tpu.assume_multiple %mul3A_409, 128 : i32
        %dma_start3A_411 = arith.constant 128 : i32
        %dma_start3A_412 = arith.constant 0 : i32
        %dma_start3A_413 = tpu.memref_slice %arg11[%dma_start3A_411, %dma_start3A_412] : memref<256x128xf32, #tpu.memory_space<vmem>> -> memref<32x128xf32, #tpu.memory_space<vmem>>
        %dma_start3A_414 = arith.constant 0 : i32
        %dma_start3A_415 = tpu.memref_slice %arg4[%dma_start3A_414, %multiple_of3A_403] : memref<32x1000000xf32, #tpu.memory_space<hbm>> -> memref<32x128xf32, #tpu.memory_space<hbm>>
        %dma_start3A_416 = arith.constant 128 : i32
        %dma_start3A_417 = arith.constant 0 : i32
        %dma_start3A_418 = tpu.memref_slice %arg11[%dma_start3A_416, %dma_start3A_417] : memref<256x128xf32, #tpu.memory_space<vmem>> -> memref<32x128xf32, #tpu.memory_space<vmem>>
        %dma_start3A_419 = arith.constant 0 : i32
        %dma_start3A_420 = tpu.memref_slice %arg4[%dma_start3A_419, %multiple_of3A_403] : memref<32x1000000xf32, #tpu.memory_space<hbm>> -> memref<32x128xf32, #tpu.memory_space<hbm>>
        tpu.enqueue_dma source(%dma_start3A_420 : memref<32x128xf32, #tpu.memory_space<hbm>>) target(%dma_start3A_418 : memref<32x128xf32, #tpu.memory_space<vmem>>) target_semaphore(%arg19 : memref<!tpu.dma_semaphore, #tpu.memory_space<semaphore_mem>>)
        %dma_start3A_421 = arith.constant 128 : i32
        %dma_start3A_422 = arith.constant 0 : i32
        %dma_start3A_423 = tpu.memref_slice %arg12[%dma_start3A_421, %dma_start3A_422] : memref<256x128xf32, #tpu.memory_space<vmem>> -> memref<32x128xf32, #tpu.memory_space<vmem>>
        %dma_start3A_424 = arith.constant 0 : i32
        %dma_start3A_425 = tpu.memref_slice %arg5[%dma_start3A_424, %multiple_of3A_410] : memref<32x100000xf32, #tpu.memory_space<hbm>> -> memref<32x128xf32, #tpu.memory_space<hbm>>
        %dma_start3A_426 = arith.constant 128 : i32
        %dma_start3A_427 = arith.constant 0 : i32
        %dma_start3A_428 = tpu.memref_slice %arg12[%dma_start3A_426, %dma_start3A_427] : memref<256x128xf32, #tpu.memory_space<vmem>> -> memref<32x128xf32, #tpu.memory_space<vmem>>
        %dma_start3A_429 = arith.constant 0 : i32
        %dma_start3A_430 = tpu.memref_slice %arg5[%dma_start3A_429, %multiple_of3A_410] : memref<32x100000xf32, #tpu.memory_space<hbm>> -> memref<32x128xf32, #tpu.memory_space<hbm>>
        tpu.enqueue_dma source(%dma_start3A_430 : memref<32x128xf32, #tpu.memory_space<hbm>>) target(%dma_start3A_428 : memref<32x128xf32, #tpu.memory_space<vmem>>) target_semaphore(%arg19 : memref<!tpu.dma_semaphore, #tpu.memory_space<semaphore_mem>>)
        %slice3A_431 = vector.extract_strided_slice %get3A_392 {offsets = [1], sizes = [1], strides = [1]} : vector<16xi32> to vector<1xi32>
        %squeeze3A_432 = vector.extract %slice3A_431[0] : i32 from vector<1xi32>
        %shift_right_arithmetic3A_433 = arith.constant 7 : i32
        %shift_right_arithmetic3A_434 = arith.shrsi %squeeze3A_432, %shift_right_arithmetic3A_433 : i32
        %mul3A_435 = arith.constant 128 : i32
        %mul3A_436 = arith.muli %shift_right_arithmetic3A_434, %mul3A_435 : i32
        %multiple_of3A_437 = tpu.assume_multiple %mul3A_436, 128 : i32
        %slice3A_438 = vector.extract_strided_slice %get3A_396 {offsets = [1], sizes = [1], strides = [1]} : vector<16xi32> to vector<1xi32>
        %squeeze3A_439 = vector.extract %slice3A_438[0] : i32 from vector<1xi32>
        %shift_right_arithmetic3A_440 = arith.constant 7 : i32
        %shift_right_arithmetic3A_441 = arith.shrsi %squeeze3A_439, %shift_right_arithmetic3A_440 : i32
        %mul3A_442 = arith.constant 128 : i32
        %mul3A_443 = arith.muli %shift_right_arithmetic3A_441, %mul3A_442 : i32
        %multiple_of3A_444 = tpu.assume_multiple %mul3A_443, 128 : i32
        %dma_start3A_445 = arith.constant 160 : i32
        %dma_start3A_446 = arith.constant 0 : i32
        %dma_start3A_447 = tpu.memref_slice %arg11[%dma_start3A_445, %dma_start3A_446] : memref<256x128xf32, #tpu.memory_space<vmem>> -> memref<32x128xf32, #tpu.memory_space<vmem>>
        %dma_start3A_448 = arith.constant 0 : i32
        %dma_start3A_449 = tpu.memref_slice %arg4[%dma_start3A_448, %multiple_of3A_437] : memref<32x1000000xf32, #tpu.memory_space<hbm>> -> memref<32x128xf32, #tpu.memory_space<hbm>>
        %dma_start3A_450 = arith.constant 160 : i32
        %dma_start3A_451 = arith.constant 0 : i32
        %dma_start3A_452 = tpu.memref_slice %arg11[%dma_start3A_450, %dma_start3A_451] : memref<256x128xf32, #tpu.memory_space<vmem>> -> memref<32x128xf32, #tpu.memory_space<vmem>>
        %dma_start3A_453 = arith.constant 0 : i32
        %dma_start3A_454 = tpu.memref_slice %arg4[%dma_start3A_453, %multiple_of3A_437] : memref<32x1000000xf32, #tpu.memory_space<hbm>> -> memref<32x128xf32, #tpu.memory_space<hbm>>
        tpu.enqueue_dma source(%dma_start3A_454 : memref<32x128xf32, #tpu.memory_space<hbm>>) target(%dma_start3A_452 : memref<32x128xf32, #tpu.memory_space<vmem>>) target_semaphore(%arg19 : memref<!tpu.dma_semaphore, #tpu.memory_space<semaphore_mem>>)
        %dma_start3A_455 = arith.constant 160 : i32
        %dma_start3A_456 = arith.constant 0 : i32
        %dma_start3A_457 = tpu.memref_slice %arg12[%dma_start3A_455, %dma_start3A_456] : memref<256x128xf32, #tpu.memory_space<vmem>> -> memref<32x128xf32, #tpu.memory_space<vmem>>
        %dma_start3A_458 = arith.constant 0 : i32
        %dma_start3A_459 = tpu.memref_slice %arg5[%dma_start3A_458, %multiple_of3A_444] : memref<32x100000xf32, #tpu.memory_space<hbm>> -> memref<32x128xf32, #tpu.memory_space<hbm>>
        %dma_start3A_460 = arith.constant 160 : i32
        %dma_start3A_461 = arith.constant 0 : i32
        %dma_start3A_462 = tpu.memref_slice %arg12[%dma_start3A_460, %dma_start3A_461] : memref<256x128xf32, #tpu.memory_space<vmem>> -> memref<32x128xf32, #tpu.memory_space<vmem>>
        %dma_start3A_463 = arith.constant 0 : i32
        %dma_start3A_464 = tpu.memref_slice %arg5[%dma_start3A_463, %multiple_of3A_444] : memref<32x100000xf32, #tpu.memory_space<hbm>> -> memref<32x128xf32, #tpu.memory_space<hbm>>
        tpu.enqueue_dma source(%dma_start3A_464 : memref<32x128xf32, #tpu.memory_space<hbm>>) target(%dma_start3A_462 : memref<32x128xf32, #tpu.memory_space<vmem>>) target_semaphore(%arg19 : memref<!tpu.dma_semaphore, #tpu.memory_space<semaphore_mem>>)
        %slice3A_465 = vector.extract_strided_slice %get3A_392 {offsets = [2], sizes = [1], strides = [1]} : vector<16xi32> to vector<1xi32>
        %squeeze3A_466 = vector.extract %slice3A_465[0] : i32 from vector<1xi32>
        %shift_right_arithmetic3A_467 = arith.constant 7 : i32
        %shift_right_arithmetic3A_468 = arith.shrsi %squeeze3A_466, %shift_right_arithmetic3A_467 : i32
        %mul3A_469 = arith.constant 128 : i32
        %mul3A_470 = arith.muli %shift_right_arithmetic3A_468, %mul3A_469 : i32
        %multiple_of3A_471 = tpu.assume_multiple %mul3A_470, 128 : i32
        %slice3A_472 = vector.extract_strided_slice %get3A_396 {offsets = [2], sizes = [1], strides = [1]} : vector<16xi32> to vector<1xi32>
        %squeeze3A_473 = vector.extract %slice3A_472[0] : i32 from vector<1xi32>
        %shift_right_arithmetic3A_474 = arith.constant 7 : i32
        %shift_right_arithmetic3A_475 = arith.shrsi %squeeze3A_473, %shift_right_arithmetic3A_474 : i32
        %mul3A_476 = arith.constant 128 : i32
        %mul3A_477 = arith.muli %shift_right_arithmetic3A_475, %mul3A_476 : i32
        %multiple_of3A_478 = tpu.assume_multiple %mul3A_477, 128 : i32
        %dma_start3A_479 = arith.constant 192 : i32
        %dma_start3A_480 = arith.constant 0 : i32
        %dma_start3A_481 = tpu.memref_slice %arg11[%dma_start3A_479, %dma_start3A_480] : memref<256x128xf32, #tpu.memory_space<vmem>> -> memref<32x128xf32, #tpu.memory_space<vmem>>
        %dma_start3A_482 = arith.constant 0 : i32
        %dma_start3A_483 = tpu.memref_slice %arg4[%dma_start3A_482, %multiple_of3A_471] : memref<32x1000000xf32, #tpu.memory_space<hbm>> -> memref<32x128xf32, #tpu.memory_space<hbm>>
        %dma_start3A_484 = arith.constant 192 : i32
        %dma_start3A_485 = arith.constant 0 : i32
        %dma_start3A_486 = tpu.memref_slice %arg11[%dma_start3A_484, %dma_start3A_485] : memref<256x128xf32, #tpu.memory_space<vmem>> -> memref<32x128xf32, #tpu.memory_space<vmem>>
        %dma_start3A_487 = arith.constant 0 : i32
        %dma_start3A_488 = tpu.memref_slice %arg4[%dma_start3A_487, %multiple_of3A_471] : memref<32x1000000xf32, #tpu.memory_space<hbm>> -> memref<32x128xf32, #tpu.memory_space<hbm>>
        tpu.enqueue_dma source(%dma_start3A_488 : memref<32x128xf32, #tpu.memory_space<hbm>>) target(%dma_start3A_486 : memref<32x128xf32, #tpu.memory_space<vmem>>) target_semaphore(%arg19 : memref<!tpu.dma_semaphore, #tpu.memory_space<semaphore_mem>>)
        %dma_start3A_489 = arith.constant 192 : i32
        %dma_start3A_490 = arith.constant 0 : i32
        %dma_start3A_491 = tpu.memref_slice %arg12[%dma_start3A_489, %dma_start3A_490] : memref<256x128xf32, #tpu.memory_space<vmem>> -> memref<32x128xf32, #tpu.memory_space<vmem>>
        %dma_start3A_492 = arith.constant 0 : i32
        %dma_start3A_493 = tpu.memref_slice %arg5[%dma_start3A_492, %multiple_of3A_478] : memref<32x100000xf32, #tpu.memory_space<hbm>> -> memref<32x128xf32, #tpu.memory_space<hbm>>
        %dma_start3A_494 = arith.constant 192 : i32
        %dma_start3A_495 = arith.constant 0 : i32
        %dma_start3A_496 = tpu.memref_slice %arg12[%dma_start3A_494, %dma_start3A_495] : memref<256x128xf32, #tpu.memory_space<vmem>> -> memref<32x128xf32, #tpu.memory_space<vmem>>
        %dma_start3A_497 = arith.constant 0 : i32
        %dma_start3A_498 = tpu.memref_slice %arg5[%dma_start3A_497, %multiple_of3A_478] : memref<32x100000xf32, #tpu.memory_space<hbm>> -> memref<32x128xf32, #tpu.memory_space<hbm>>
        tpu.enqueue_dma source(%dma_start3A_498 : memref<32x128xf32, #tpu.memory_space<hbm>>) target(%dma_start3A_496 : memref<32x128xf32, #tpu.memory_space<vmem>>) target_semaphore(%arg19 : memref<!tpu.dma_semaphore, #tpu.memory_space<semaphore_mem>>)
        %slice3A_499 = vector.extract_strided_slice %get3A_392 {offsets = [3], sizes = [1], strides = [1]} : vector<16xi32> to vector<1xi32>
        %squeeze3A_500 = vector.extract %slice3A_499[0] : i32 from vector<1xi32>
        %shift_right_arithmetic3A_501 = arith.constant 7 : i32
        %shift_right_arithmetic3A_502 = arith.shrsi %squeeze3A_500, %shift_right_arithmetic3A_501 : i32
        %mul3A_503 = arith.constant 128 : i32
        %mul3A_504 = arith.muli %shift_right_arithmetic3A_502, %mul3A_503 : i32
        %multiple_of3A_505 = tpu.assume_multiple %mul3A_504, 128 : i32
        %slice3A_506 = vector.extract_strided_slice %get3A_396 {offsets = [3], sizes = [1], strides = [1]} : vector<16xi32> to vector<1xi32>
        %squeeze3A_507 = vector.extract %slice3A_506[0] : i32 from vector<1xi32>
        %shift_right_arithmetic3A_508 = arith.constant 7 : i32
        %shift_right_arithmetic3A_509 = arith.shrsi %squeeze3A_507, %shift_right_arithmetic3A_508 : i32
        %mul3A_510 = arith.constant 128 : i32
        %mul3A_511 = arith.muli %shift_right_arithmetic3A_509, %mul3A_510 : i32
        %multiple_of3A_512 = tpu.assume_multiple %mul3A_511, 128 : i32
        %dma_start3A_513 = arith.constant 224 : i32
        %dma_start3A_514 = arith.constant 0 : i32
        %dma_start3A_515 = tpu.memref_slice %arg11[%dma_start3A_513, %dma_start3A_514] : memref<256x128xf32, #tpu.memory_space<vmem>> -> memref<32x128xf32, #tpu.memory_space<vmem>>
        %dma_start3A_516 = arith.constant 0 : i32
        %dma_start3A_517 = tpu.memref_slice %arg4[%dma_start3A_516, %multiple_of3A_505] : memref<32x1000000xf32, #tpu.memory_space<hbm>> -> memref<32x128xf32, #tpu.memory_space<hbm>>
        %dma_start3A_518 = arith.constant 224 : i32
        %dma_start3A_519 = arith.constant 0 : i32
        %dma_start3A_520 = tpu.memref_slice %arg11[%dma_start3A_518, %dma_start3A_519] : memref<256x128xf32, #tpu.memory_space<vmem>> -> memref<32x128xf32, #tpu.memory_space<vmem>>
        %dma_start3A_521 = arith.constant 0 : i32
        %dma_start3A_522 = tpu.memref_slice %arg4[%dma_start3A_521, %multiple_of3A_505] : memref<32x1000000xf32, #tpu.memory_space<hbm>> -> memref<32x128xf32, #tpu.memory_space<hbm>>
        tpu.enqueue_dma source(%dma_start3A_522 : memref<32x128xf32, #tpu.memory_space<hbm>>) target(%dma_start3A_520 : memref<32x128xf32, #tpu.memory_space<vmem>>) target_semaphore(%arg19 : memref<!tpu.dma_semaphore, #tpu.memory_space<semaphore_mem>>)
        %dma_start3A_523 = arith.constant 224 : i32
        %dma_start3A_524 = arith.constant 0 : i32
        %dma_start3A_525 = tpu.memref_slice %arg12[%dma_start3A_523, %dma_start3A_524] : memref<256x128xf32, #tpu.memory_space<vmem>> -> memref<32x128xf32, #tpu.memory_space<vmem>>
        %dma_start3A_526 = arith.constant 0 : i32
        %dma_start3A_527 = tpu.memref_slice %arg5[%dma_start3A_526, %multiple_of3A_512] : memref<32x100000xf32, #tpu.memory_space<hbm>> -> memref<32x128xf32, #tpu.memory_space<hbm>>
        %dma_start3A_528 = arith.constant 224 : i32
        %dma_start3A_529 = arith.constant 0 : i32
        %dma_start3A_530 = tpu.memref_slice %arg12[%dma_start3A_528, %dma_start3A_529] : memref<256x128xf32, #tpu.memory_space<vmem>> -> memref<32x128xf32, #tpu.memory_space<vmem>>
        %dma_start3A_531 = arith.constant 0 : i32
        %dma_start3A_532 = tpu.memref_slice %arg5[%dma_start3A_531, %multiple_of3A_512] : memref<32x100000xf32, #tpu.memory_space<hbm>> -> memref<32x128xf32, #tpu.memory_space<hbm>>
        tpu.enqueue_dma source(%dma_start3A_532 : memref<32x128xf32, #tpu.memory_space<hbm>>) target(%dma_start3A_530 : memref<32x128xf32, #tpu.memory_space<vmem>>) target_semaphore(%arg19 : memref<!tpu.dma_semaphore, #tpu.memory_space<semaphore_mem>>)
      } else {
      }
      %not3A = arith.constant true
      %not3A_177 = arith.xori %eq3A_171, %not3A : i1
      %and3A_178 = arith.andi %not3A_177, %lt3A_174 : i1
      %convert_element_type3A_179 = arith.extui %and3A_178 : i1 to i32
      %cond3A_180 = arith.constant 0 : i32
      %cond3A_181 = arith.cmpi ne, %convert_element_type3A_179, %cond3A_180 : i32
      scf.if %cond3A_181 {
        %add3A_387 = arith.constant 1 : i32
        %add3A_388 = arith.addi %scan3A_169, %add3A_387 : i32
        %mul3A_389 = arith.constant 4 : i32
        %mul3A_390 = arith.muli %add3A_388, %mul3A_389 : i32
        %get3A_391 = arith.index_cast %mul3A_390 : i32 to index
        %get3A_392 = tpu.vector_load %arg9[%get3A_391] {strides = array<i32>} : memref<528xi32, #tpu.memory_space<vmem>>, vector<16xi32>,
        %mul3A_393 = arith.constant 4 : i32
        %mul3A_394 = arith.muli %add3A_388, %mul3A_393 : i32
        %get3A_395 = arith.index_cast %mul3A_394 : i32 to index
        %get3A_396 = tpu.vector_load %arg10[%get3A_395] {strides = array<i32>} : memref<528xi32, #tpu.memory_space<vmem>>, vector<16xi32>,
        %slice3A_397 = vector.extract_strided_slice %get3A_392 {offsets = [0], sizes = [1], strides = [1]} : vector<16xi32> to vector<1xi32>
        %squeeze3A_398 = vector.extract %slice3A_397[0] : i32 from vector<1xi32>
        %shift_right_arithmetic3A_399 = arith.constant 7 : i32
        %shift_right_arithmetic3A_400 = arith.shrsi %squeeze3A_398, %shift_right_arithmetic3A_399 : i32
        %mul3A_401 = arith.constant 128 : i32
        %mul3A_402 = arith.muli %shift_right_arithmetic3A_400, %mul3A_401 : i32
        %multiple_of3A_403 = tpu.assume_multiple %mul3A_402, 128 : i32
        %slice3A_404 = vector.extract_strided_slice %get3A_396 {offsets = [0], sizes = [1], strides = [1]} : vector<16xi32> to vector<1xi32>
        %squeeze3A_405 = vector.extract %slice3A_404[0] : i32 from vector<1xi32>
        %shift_right_arithmetic3A_406 = arith.constant 7 : i32
        %shift_right_arithmetic3A_407 = arith.shrsi %squeeze3A_405, %shift_right_arithmetic3A_406 : i32
        %mul3A_408 = arith.constant 128 : i32
        %mul3A_409 = arith.muli %shift_right_arithmetic3A_407, %mul3A_408 : i32
        %multiple_of3A_410 = tpu.assume_multiple %mul3A_409, 128 : i32
        %dma_start3A_411 = arith.constant 0 : i32
        %dma_start3A_412 = arith.constant 0 : i32
        %dma_start3A_413 = tpu.memref_slice %arg11[%dma_start3A_411, %dma_start3A_412] : memref<256x128xf32, #tpu.memory_space<vmem>> -> memref<32x128xf32, #tpu.memory_space<vmem>>
        %dma_start3A_414 = arith.constant 0 : i32
        %dma_start3A_415 = tpu.memref_slice %arg4[%dma_start3A_414, %multiple_of3A_403] : memref<32x1000000xf32, #tpu.memory_space<hbm>> -> memref<32x128xf32, #tpu.memory_space<hbm>>
        %dma_start3A_416 = arith.constant 0 : i32
        %dma_start3A_417 = arith.constant 0 : i32
        %dma_start3A_418 = tpu.memref_slice %arg11[%dma_start3A_416, %dma_start3A_417] : memref<256x128xf32, #tpu.memory_space<vmem>> -> memref<32x128xf32, #tpu.memory_space<vmem>>
        %dma_start3A_419 = arith.constant 0 : i32
        %dma_start3A_420 = tpu.memref_slice %arg4[%dma_start3A_419, %multiple_of3A_403] : memref<32x1000000xf32, #tpu.memory_space<hbm>> -> memref<32x128xf32, #tpu.memory_space<hbm>>
        tpu.enqueue_dma source(%dma_start3A_420 : memref<32x128xf32, #tpu.memory_space<hbm>>) target(%dma_start3A_418 : memref<32x128xf32, #tpu.memory_space<vmem>>) target_semaphore(%arg18 : memref<!tpu.dma_semaphore, #tpu.memory_space<semaphore_mem>>)
        %dma_start3A_421 = arith.constant 0 : i32
        %dma_start3A_422 = arith.constant 0 : i32
        %dma_start3A_423 = tpu.memref_slice %arg12[%dma_start3A_421, %dma_start3A_422] : memref<256x128xf32, #tpu.memory_space<vmem>> -> memref<32x128xf32, #tpu.memory_space<vmem>>
        %dma_start3A_424 = arith.constant 0 : i32
        %dma_start3A_425 = tpu.memref_slice %arg5[%dma_start3A_424, %multiple_of3A_410] : memref<32x100000xf32, #tpu.memory_space<hbm>> -> memref<32x128xf32, #tpu.memory_space<hbm>>
        %dma_start3A_426 = arith.constant 0 : i32
        %dma_start3A_427 = arith.constant 0 : i32
        %dma_start3A_428 = tpu.memref_slice %arg12[%dma_start3A_426, %dma_start3A_427] : memref<256x128xf32, #tpu.memory_space<vmem>> -> memref<32x128xf32, #tpu.memory_space<vmem>>
        %dma_start3A_429 = arith.constant 0 : i32
        %dma_start3A_430 = tpu.memref_slice %arg5[%dma_start3A_429, %multiple_of3A_410] : memref<32x100000xf32, #tpu.memory_space<hbm>> -> memref<32x128xf32, #tpu.memory_space<hbm>>
        tpu.enqueue_dma source(%dma_start3A_430 : memref<32x128xf32, #tpu.memory_space<hbm>>) target(%dma_start3A_428 : memref<32x128xf32, #tpu.memory_space<vmem>>) target_semaphore(%arg18 : memref<!tpu.dma_semaphore, #tpu.memory_space<semaphore_mem>>)
        %slice3A_431 = vector.extract_strided_slice %get3A_392 {offsets = [1], sizes = [1], strides = [1]} : vector<16xi32> to vector<1xi32>
        %squeeze3A_432 = vector.extract %slice3A_431[0] : i32 from vector<1xi32>
        %shift_right_arithmetic3A_433 = arith.constant 7 : i32
        %shift_right_arithmetic3A_434 = arith.shrsi %squeeze3A_432, %shift_right_arithmetic3A_433 : i32
        %mul3A_435 = arith.constant 128 : i32
        %mul3A_436 = arith.muli %shift_right_arithmetic3A_434, %mul3A_435 : i32
        %multiple_of3A_437 = tpu.assume_multiple %mul3A_436, 128 : i32
        %slice3A_438 = vector.extract_strided_slice %get3A_396 {offsets = [1], sizes = [1], strides = [1]} : vector<16xi32> to vector<1xi32>
        %squeeze3A_439 = vector.extract %slice3A_438[0] : i32 from vector<1xi32>
        %shift_right_arithmetic3A_440 = arith.constant 7 : i32
        %shift_right_arithmetic3A_441 = arith.shrsi %squeeze3A_439, %shift_right_arithmetic3A_440 : i32
        %mul3A_442 = arith.constant 128 : i32
        %mul3A_443 = arith.muli %shift_right_arithmetic3A_441, %mul3A_442 : i32
        %multiple_of3A_444 = tpu.assume_multiple %mul3A_443, 128 : i32
        %dma_start3A_445 = arith.constant 32 : i32
        %dma_start3A_446 = arith.constant 0 : i32
        %dma_start3A_447 = tpu.memref_slice %arg11[%dma_start3A_445, %dma_start3A_446] : memref<256x128xf32, #tpu.memory_space<vmem>> -> memref<32x128xf32, #tpu.memory_space<vmem>>
        %dma_start3A_448 = arith.constant 0 : i32
        %dma_start3A_449 = tpu.memref_slice %arg4[%dma_start3A_448, %multiple_of3A_437] : memref<32x1000000xf32, #tpu.memory_space<hbm>> -> memref<32x128xf32, #tpu.memory_space<hbm>>
        %dma_start3A_450 = arith.constant 32 : i32
        %dma_start3A_451 = arith.constant 0 : i32
        %dma_start3A_452 = tpu.memref_slice %arg11[%dma_start3A_450, %dma_start3A_451] : memref<256x128xf32, #tpu.memory_space<vmem>> -> memref<32x128xf32, #tpu.memory_space<vmem>>
        %dma_start3A_453 = arith.constant 0 : i32
        %dma_start3A_454 = tpu.memref_slice %arg4[%dma_start3A_453, %multiple_of3A_437] : memref<32x1000000xf32, #tpu.memory_space<hbm>> -> memref<32x128xf32, #tpu.memory_space<hbm>>
        tpu.enqueue_dma source(%dma_start3A_454 : memref<32x128xf32, #tpu.memory_space<hbm>>) target(%dma_start3A_452 : memref<32x128xf32, #tpu.memory_space<vmem>>) target_semaphore(%arg18 : memref<!tpu.dma_semaphore, #tpu.memory_space<semaphore_mem>>)
        %dma_start3A_455 = arith.constant 32 : i32
        %dma_start3A_456 = arith.constant 0 : i32
        %dma_start3A_457 = tpu.memref_slice %arg12[%dma_start3A_455, %dma_start3A_456] : memref<256x128xf32, #tpu.memory_space<vmem>> -> memref<32x128xf32, #tpu.memory_space<vmem>>
        %dma_start3A_458 = arith.constant 0 : i32
        %dma_start3A_459 = tpu.memref_slice %arg5[%dma_start3A_458, %multiple_of3A_444] : memref<32x100000xf32, #tpu.memory_space<hbm>> -> memref<32x128xf32, #tpu.memory_space<hbm>>
        %dma_start3A_460 = arith.constant 32 : i32
        %dma_start3A_461 = arith.constant 0 : i32
        %dma_start3A_462 = tpu.memref_slice %arg12[%dma_start3A_460, %dma_start3A_461] : memref<256x128xf32, #tpu.memory_space<vmem>> -> memref<32x128xf32, #tpu.memory_space<vmem>>
        %dma_start3A_463 = arith.constant 0 : i32
        %dma_start3A_464 = tpu.memref_slice %arg5[%dma_start3A_463, %multiple_of3A_444] : memref<32x100000xf32, #tpu.memory_space<hbm>> -> memref<32x128xf32, #tpu.memory_space<hbm>>
        tpu.enqueue_dma source(%dma_start3A_464 : memref<32x128xf32, #tpu.memory_space<hbm>>) target(%dma_start3A_462 : memref<32x128xf32, #tpu.memory_space<vmem>>) target_semaphore(%arg18 : memref<!tpu.dma_semaphore, #tpu.memory_space<semaphore_mem>>)
        %slice3A_465 = vector.extract_strided_slice %get3A_392 {offsets = [2], sizes = [1], strides = [1]} : vector<16xi32> to vector<1xi32>
        %squeeze3A_466 = vector.extract %slice3A_465[0] : i32 from vector<1xi32>
        %shift_right_arithmetic3A_467 = arith.constant 7 : i32
        %shift_right_arithmetic3A_468 = arith.shrsi %squeeze3A_466, %shift_right_arithmetic3A_467 : i32
        %mul3A_469 = arith.constant 128 : i32
        %mul3A_470 = arith.muli %shift_right_arithmetic3A_468, %mul3A_469 : i32
        %multiple_of3A_471 = tpu.assume_multiple %mul3A_470, 128 : i32
        %slice3A_472 = vector.extract_strided_slice %get3A_396 {offsets = [2], sizes = [1], strides = [1]} : vector<16xi32> to vector<1xi32>
        %squeeze3A_473 = vector.extract %slice3A_472[0] : i32 from vector<1xi32>
        %shift_right_arithmetic3A_474 = arith.constant 7 : i32
        %shift_right_arithmetic3A_475 = arith.shrsi %squeeze3A_473, %shift_right_arithmetic3A_474 : i32
        %mul3A_476 = arith.constant 128 : i32
        %mul3A_477 = arith.muli %shift_right_arithmetic3A_475, %mul3A_476 : i32
        %multiple_of3A_478 = tpu.assume_multiple %mul3A_477, 128 : i32
        %dma_start3A_479 = arith.constant 64 : i32
        %dma_start3A_480 = arith.constant 0 : i32
        %dma_start3A_481 = tpu.memref_slice %arg11[%dma_start3A_479, %dma_start3A_480] : memref<256x128xf32, #tpu.memory_space<vmem>> -> memref<32x128xf32, #tpu.memory_space<vmem>>
        %dma_start3A_482 = arith.constant 0 : i32
        %dma_start3A_483 = tpu.memref_slice %arg4[%dma_start3A_482, %multiple_of3A_471] : memref<32x1000000xf32, #tpu.memory_space<hbm>> -> memref<32x128xf32, #tpu.memory_space<hbm>>
        %dma_start3A_484 = arith.constant 64 : i32
        %dma_start3A_485 = arith.constant 0 : i32
        %dma_start3A_486 = tpu.memref_slice %arg11[%dma_start3A_484, %dma_start3A_485] : memref<256x128xf32, #tpu.memory_space<vmem>> -> memref<32x128xf32, #tpu.memory_space<vmem>>
        %dma_start3A_487 = arith.constant 0 : i32
        %dma_start3A_488 = tpu.memref_slice %arg4[%dma_start3A_487, %multiple_of3A_471] : memref<32x1000000xf32, #tpu.memory_space<hbm>> -> memref<32x128xf32, #tpu.memory_space<hbm>>
        tpu.enqueue_dma source(%dma_start3A_488 : memref<32x128xf32, #tpu.memory_space<hbm>>) target(%dma_start3A_486 : memref<32x128xf32, #tpu.memory_space<vmem>>) target_semaphore(%arg18 : memref<!tpu.dma_semaphore, #tpu.memory_space<semaphore_mem>>)
        %dma_start3A_489 = arith.constant 64 : i32
        %dma_start3A_490 = arith.constant 0 : i32
        %dma_start3A_491 = tpu.memref_slice %arg12[%dma_start3A_489, %dma_start3A_490] : memref<256x128xf32, #tpu.memory_space<vmem>> -> memref<32x128xf32, #tpu.memory_space<vmem>>
        %dma_start3A_492 = arith.constant 0 : i32
        %dma_start3A_493 = tpu.memref_slice %arg5[%dma_start3A_492, %multiple_of3A_478] : memref<32x100000xf32, #tpu.memory_space<hbm>> -> memref<32x128xf32, #tpu.memory_space<hbm>>
        %dma_start3A_494 = arith.constant 64 : i32
        %dma_start3A_495 = arith.constant 0 : i32
        %dma_start3A_496 = tpu.memref_slice %arg12[%dma_start3A_494, %dma_start3A_495] : memref<256x128xf32, #tpu.memory_space<vmem>> -> memref<32x128xf32, #tpu.memory_space<vmem>>
        %dma_start3A_497 = arith.constant 0 : i32
        %dma_start3A_498 = tpu.memref_slice %arg5[%dma_start3A_497, %multiple_of3A_478] : memref<32x100000xf32, #tpu.memory_space<hbm>> -> memref<32x128xf32, #tpu.memory_space<hbm>>
        tpu.enqueue_dma source(%dma_start3A_498 : memref<32x128xf32, #tpu.memory_space<hbm>>) target(%dma_start3A_496 : memref<32x128xf32, #tpu.memory_space<vmem>>) target_semaphore(%arg18 : memref<!tpu.dma_semaphore, #tpu.memory_space<semaphore_mem>>)
        %slice3A_499 = vector.extract_strided_slice %get3A_392 {offsets = [3], sizes = [1], strides = [1]} : vector<16xi32> to vector<1xi32>
        %squeeze3A_500 = vector.extract %slice3A_499[0] : i32 from vector<1xi32>
        %shift_right_arithmetic3A_501 = arith.constant 7 : i32
        %shift_right_arithmetic3A_502 = arith.shrsi %squeeze3A_500, %shift_right_arithmetic3A_501 : i32
        %mul3A_503 = arith.constant 128 : i32
        %mul3A_504 = arith.muli %shift_right_arithmetic3A_502, %mul3A_503 : i32
        %multiple_of3A_505 = tpu.assume_multiple %mul3A_504, 128 : i32
        %slice3A_506 = vector.extract_strided_slice %get3A_396 {offsets = [3], sizes = [1], strides = [1]} : vector<16xi32> to vector<1xi32>
        %squeeze3A_507 = vector.extract %slice3A_506[0] : i32 from vector<1xi32>
        %shift_right_arithmetic3A_508 = arith.constant 7 : i32
        %shift_right_arithmetic3A_509 = arith.shrsi %squeeze3A_507, %shift_right_arithmetic3A_508 : i32
        %mul3A_510 = arith.constant 128 : i32
        %mul3A_511 = arith.muli %shift_right_arithmetic3A_509, %mul3A_510 : i32
        %multiple_of3A_512 = tpu.assume_multiple %mul3A_511, 128 : i32
        %dma_start3A_513 = arith.constant 96 : i32
        %dma_start3A_514 = arith.constant 0 : i32
        %dma_start3A_515 = tpu.memref_slice %arg11[%dma_start3A_513, %dma_start3A_514] : memref<256x128xf32, #tpu.memory_space<vmem>> -> memref<32x128xf32, #tpu.memory_space<vmem>>
        %dma_start3A_516 = arith.constant 0 : i32
        %dma_start3A_517 = tpu.memref_slice %arg4[%dma_start3A_516, %multiple_of3A_505] : memref<32x1000000xf32, #tpu.memory_space<hbm>> -> memref<32x128xf32, #tpu.memory_space<hbm>>
        %dma_start3A_518 = arith.constant 96 : i32
        %dma_start3A_519 = arith.constant 0 : i32
        %dma_start3A_520 = tpu.memref_slice %arg11[%dma_start3A_518, %dma_start3A_519] : memref<256x128xf32, #tpu.memory_space<vmem>> -> memref<32x128xf32, #tpu.memory_space<vmem>>
        %dma_start3A_521 = arith.constant 0 : i32
        %dma_start3A_522 = tpu.memref_slice %arg4[%dma_start3A_521, %multiple_of3A_505] : memref<32x1000000xf32, #tpu.memory_space<hbm>> -> memref<32x128xf32, #tpu.memory_space<hbm>>
        tpu.enqueue_dma source(%dma_start3A_522 : memref<32x128xf32, #tpu.memory_space<hbm>>) target(%dma_start3A_520 : memref<32x128xf32, #tpu.memory_space<vmem>>) target_semaphore(%arg18 : memref<!tpu.dma_semaphore, #tpu.memory_space<semaphore_mem>>)
        %dma_start3A_523 = arith.constant 96 : i32
        %dma_start3A_524 = arith.constant 0 : i32
        %dma_start3A_525 = tpu.memref_slice %arg12[%dma_start3A_523, %dma_start3A_524] : memref<256x128xf32, #tpu.memory_space<vmem>> -> memref<32x128xf32, #tpu.memory_space<vmem>>
        %dma_start3A_526 = arith.constant 0 : i32
        %dma_start3A_527 = tpu.memref_slice %arg5[%dma_start3A_526, %multiple_of3A_512] : memref<32x100000xf32, #tpu.memory_space<hbm>> -> memref<32x128xf32, #tpu.memory_space<hbm>>
        %dma_start3A_528 = arith.constant 96 : i32
        %dma_start3A_529 = arith.constant 0 : i32
        %dma_start3A_530 = tpu.memref_slice %arg12[%dma_start3A_528, %dma_start3A_529] : memref<256x128xf32, #tpu.memory_space<vmem>> -> memref<32x128xf32, #tpu.memory_space<vmem>>
        %dma_start3A_531 = arith.constant 0 : i32
        %dma_start3A_532 = tpu.memref_slice %arg5[%dma_start3A_531, %multiple_of3A_512] : memref<32x100000xf32, #tpu.memory_space<hbm>> -> memref<32x128xf32, #tpu.memory_space<hbm>>
        tpu.enqueue_dma source(%dma_start3A_532 : memref<32x128xf32, #tpu.memory_space<hbm>>) target(%dma_start3A_530 : memref<32x128xf32, #tpu.memory_space<vmem>>) target_semaphore(%arg18 : memref<!tpu.dma_semaphore, #tpu.memory_space<semaphore_mem>>)
      } else {
      }
      %convert_element_type3A_182 = arith.extui %eq3A_171 : i1 to i32
      %cond3A_183 = arith.constant 0 : i32
      %cond3A_184 = arith.cmpi ne, %convert_element_type3A_182, %cond3A_183 : i32
      scf.if %cond3A_184 {
        %dma_wait3A_387 = arith.constant 0 : i32
        %dma_wait3A_388 = arith.constant 0 : i32
        %dma_wait3A_389 = tpu.memref_slice %arg11[%dma_wait3A_387, %dma_wait3A_388] : memref<256x128xf32, #tpu.memory_space<vmem>> -> memref<32x128xf32, #tpu.memory_space<vmem>>
        %dma_wait3A_390 = arith.constant 0 : i32
        %dma_wait3A_391 = arith.constant 0 : i32
        %dma_wait3A_392 = tpu.memref_slice %arg4[%dma_wait3A_390, %dma_wait3A_391] : memref<32x1000000xf32, #tpu.memory_space<hbm>> -> memref<32x128xf32, #tpu.memory_space<hbm>>
        %dma_wait3A_393 = arith.constant 0 : i32
        %dma_wait3A_394 = arith.constant 0 : i32
        %dma_wait3A_395 = tpu.memref_slice %arg11[%dma_wait3A_393, %dma_wait3A_394] : memref<256x128xf32, #tpu.memory_space<vmem>> -> memref<32x128xf32, #tpu.memory_space<vmem>>
        %dma_wait3A_396 = arith.constant 0 : i32
        %dma_wait3A_397 = arith.constant 0 : i32
        %dma_wait3A_398 = tpu.memref_slice %arg4[%dma_wait3A_396, %dma_wait3A_397] : memref<32x1000000xf32, #tpu.memory_space<hbm>> -> memref<32x128xf32, #tpu.memory_space<hbm>>
        tpu.wait_dma2 semaphore(%arg18 : memref<!tpu.dma_semaphore, #tpu.memory_space<semaphore_mem>>) src(%dma_wait3A_398 : memref<32x128xf32, #tpu.memory_space<hbm>>) dst(%dma_wait3A_395 : memref<32x128xf32, #tpu.memory_space<vmem>>)
        %dma_wait3A_399 = arith.constant 0 : i32
        %dma_wait3A_400 = arith.constant 0 : i32
        %dma_wait3A_401 = tpu.memref_slice %arg12[%dma_wait3A_399, %dma_wait3A_400] : memref<256x128xf32, #tpu.memory_space<vmem>> -> memref<32x128xf32, #tpu.memory_space<vmem>>
        %dma_wait3A_402 = arith.constant 0 : i32
        %dma_wait3A_403 = arith.constant 0 : i32
        %dma_wait3A_404 = tpu.memref_slice %arg5[%dma_wait3A_402, %dma_wait3A_403] : memref<32x100000xf32, #tpu.memory_space<hbm>> -> memref<32x128xf32, #tpu.memory_space<hbm>>
        %dma_wait3A_405 = arith.constant 0 : i32
        %dma_wait3A_406 = arith.constant 0 : i32
        %dma_wait3A_407 = tpu.memref_slice %arg12[%dma_wait3A_405, %dma_wait3A_406] : memref<256x128xf32, #tpu.memory_space<vmem>> -> memref<32x128xf32, #tpu.memory_space<vmem>>
        %dma_wait3A_408 = arith.constant 0 : i32
        %dma_wait3A_409 = arith.constant 0 : i32
        %dma_wait3A_410 = tpu.memref_slice %arg5[%dma_wait3A_408, %dma_wait3A_409] : memref<32x100000xf32, #tpu.memory_space<hbm>> -> memref<32x128xf32, #tpu.memory_space<hbm>>
        tpu.wait_dma2 semaphore(%arg18 : memref<!tpu.dma_semaphore, #tpu.memory_space<semaphore_mem>>) src(%dma_wait3A_410 : memref<32x128xf32, #tpu.memory_space<hbm>>) dst(%dma_wait3A_407 : memref<32x128xf32, #tpu.memory_space<vmem>>)
        %dma_wait3A_411 = arith.constant 32 : i32
        %dma_wait3A_412 = arith.constant 0 : i32
        %dma_wait3A_413 = tpu.memref_slice %arg11[%dma_wait3A_411, %dma_wait3A_412] : memref<256x128xf32, #tpu.memory_space<vmem>> -> memref<32x128xf32, #tpu.memory_space<vmem>>
        %dma_wait3A_414 = arith.constant 0 : i32
        %dma_wait3A_415 = arith.constant 0 : i32
        %dma_wait3A_416 = tpu.memref_slice %arg4[%dma_wait3A_414, %dma_wait3A_415] : memref<32x1000000xf32, #tpu.memory_space<hbm>> -> memref<32x128xf32, #tpu.memory_space<hbm>>
        %dma_wait3A_417 = arith.constant 32 : i32
        %dma_wait3A_418 = arith.constant 0 : i32
        %dma_wait3A_419 = tpu.memref_slice %arg11[%dma_wait3A_417, %dma_wait3A_418] : memref<256x128xf32, #tpu.memory_space<vmem>> -> memref<32x128xf32, #tpu.memory_space<vmem>>
        %dma_wait3A_420 = arith.constant 0 : i32
        %dma_wait3A_421 = arith.constant 0 : i32
        %dma_wait3A_422 = tpu.memref_slice %arg4[%dma_wait3A_420, %dma_wait3A_421] : memref<32x1000000xf32, #tpu.memory_space<hbm>> -> memref<32x128xf32, #tpu.memory_space<hbm>>
        tpu.wait_dma2 semaphore(%arg18 : memref<!tpu.dma_semaphore, #tpu.memory_space<semaphore_mem>>) src(%dma_wait3A_422 : memref<32x128xf32, #tpu.memory_space<hbm>>) dst(%dma_wait3A_419 : memref<32x128xf32, #tpu.memory_space<vmem>>)
        %dma_wait3A_423 = arith.constant 32 : i32
        %dma_wait3A_424 = arith.constant 0 : i32
        %dma_wait3A_425 = tpu.memref_slice %arg12[%dma_wait3A_423, %dma_wait3A_424] : memref<256x128xf32, #tpu.memory_space<vmem>> -> memref<32x128xf32, #tpu.memory_space<vmem>>
        %dma_wait3A_426 = arith.constant 0 : i32
        %dma_wait3A_427 = arith.constant 0 : i32
        %dma_wait3A_428 = tpu.memref_slice %arg5[%dma_wait3A_426, %dma_wait3A_427] : memref<32x100000xf32, #tpu.memory_space<hbm>> -> memref<32x128xf32, #tpu.memory_space<hbm>>
        %dma_wait3A_429 = arith.constant 32 : i32
        %dma_wait3A_430 = arith.constant 0 : i32
        %dma_wait3A_431 = tpu.memref_slice %arg12[%dma_wait3A_429, %dma_wait3A_430] : memref<256x128xf32, #tpu.memory_space<vmem>> -> memref<32x128xf32, #tpu.memory_space<vmem>>
        %dma_wait3A_432 = arith.constant 0 : i32
        %dma_wait3A_433 = arith.constant 0 : i32
        %dma_wait3A_434 = tpu.memref_slice %arg5[%dma_wait3A_432, %dma_wait3A_433] : memref<32x100000xf32, #tpu.memory_space<hbm>> -> memref<32x128xf32, #tpu.memory_space<hbm>>
        tpu.wait_dma2 semaphore(%arg18 : memref<!tpu.dma_semaphore, #tpu.memory_space<semaphore_mem>>) src(%dma_wait3A_434 : memref<32x128xf32, #tpu.memory_space<hbm>>) dst(%dma_wait3A_431 : memref<32x128xf32, #tpu.memory_space<vmem>>)
        %dma_wait3A_435 = arith.constant 64 : i32
        %dma_wait3A_436 = arith.constant 0 : i32
        %dma_wait3A_437 = tpu.memref_slice %arg11[%dma_wait3A_435, %dma_wait3A_436] : memref<256x128xf32, #tpu.memory_space<vmem>> -> memref<32x128xf32, #tpu.memory_space<vmem>>
        %dma_wait3A_438 = arith.constant 0 : i32
        %dma_wait3A_439 = arith.constant 0 : i32
        %dma_wait3A_440 = tpu.memref_slice %arg4[%dma_wait3A_438, %dma_wait3A_439] : memref<32x1000000xf32, #tpu.memory_space<hbm>> -> memref<32x128xf32, #tpu.memory_space<hbm>>
        %dma_wait3A_441 = arith.constant 64 : i32
        %dma_wait3A_442 = arith.constant 0 : i32
        %dma_wait3A_443 = tpu.memref_slice %arg11[%dma_wait3A_441, %dma_wait3A_442] : memref<256x128xf32, #tpu.memory_space<vmem>> -> memref<32x128xf32, #tpu.memory_space<vmem>>
        %dma_wait3A_444 = arith.constant 0 : i32
        %dma_wait3A_445 = arith.constant 0 : i32
        %dma_wait3A_446 = tpu.memref_slice %arg4[%dma_wait3A_444, %dma_wait3A_445] : memref<32x1000000xf32, #tpu.memory_space<hbm>> -> memref<32x128xf32, #tpu.memory_space<hbm>>
        tpu.wait_dma2 semaphore(%arg18 : memref<!tpu.dma_semaphore, #tpu.memory_space<semaphore_mem>>) src(%dma_wait3A_446 : memref<32x128xf32, #tpu.memory_space<hbm>>) dst(%dma_wait3A_443 : memref<32x128xf32, #tpu.memory_space<vmem>>)
        %dma_wait3A_447 = arith.constant 64 : i32
        %dma_wait3A_448 = arith.constant 0 : i32
        %dma_wait3A_449 = tpu.memref_slice %arg12[%dma_wait3A_447, %dma_wait3A_448] : memref<256x128xf32, #tpu.memory_space<vmem>> -> memref<32x128xf32, #tpu.memory_space<vmem>>
        %dma_wait3A_450 = arith.constant 0 : i32
        %dma_wait3A_451 = arith.constant 0 : i32
        %dma_wait3A_452 = tpu.memref_slice %arg5[%dma_wait3A_450, %dma_wait3A_451] : memref<32x100000xf32, #tpu.memory_space<hbm>> -> memref<32x128xf32, #tpu.memory_space<hbm>>
        %dma_wait3A_453 = arith.constant 64 : i32
        %dma_wait3A_454 = arith.constant 0 : i32
        %dma_wait3A_455 = tpu.memref_slice %arg12[%dma_wait3A_453, %dma_wait3A_454] : memref<256x128xf32, #tpu.memory_space<vmem>> -> memref<32x128xf32, #tpu.memory_space<vmem>>
        %dma_wait3A_456 = arith.constant 0 : i32
        %dma_wait3A_457 = arith.constant 0 : i32
        %dma_wait3A_458 = tpu.memref_slice %arg5[%dma_wait3A_456, %dma_wait3A_457] : memref<32x100000xf32, #tpu.memory_space<hbm>> -> memref<32x128xf32, #tpu.memory_space<hbm>>
        tpu.wait_dma2 semaphore(%arg18 : memref<!tpu.dma_semaphore, #tpu.memory_space<semaphore_mem>>) src(%dma_wait3A_458 : memref<32x128xf32, #tpu.memory_space<hbm>>) dst(%dma_wait3A_455 : memref<32x128xf32, #tpu.memory_space<vmem>>)
        %dma_wait3A_459 = arith.constant 96 : i32
        %dma_wait3A_460 = arith.constant 0 : i32
        %dma_wait3A_461 = tpu.memref_slice %arg11[%dma_wait3A_459, %dma_wait3A_460] : memref<256x128xf32, #tpu.memory_space<vmem>> -> memref<32x128xf32, #tpu.memory_space<vmem>>
        %dma_wait3A_462 = arith.constant 0 : i32
        %dma_wait3A_463 = arith.constant 0 : i32
        %dma_wait3A_464 = tpu.memref_slice %arg4[%dma_wait3A_462, %dma_wait3A_463] : memref<32x1000000xf32, #tpu.memory_space<hbm>> -> memref<32x128xf32, #tpu.memory_space<hbm>>
        %dma_wait3A_465 = arith.constant 96 : i32
        %dma_wait3A_466 = arith.constant 0 : i32
        %dma_wait3A_467 = tpu.memref_slice %arg11[%dma_wait3A_465, %dma_wait3A_466] : memref<256x128xf32, #tpu.memory_space<vmem>> -> memref<32x128xf32, #tpu.memory_space<vmem>>
        %dma_wait3A_468 = arith.constant 0 : i32
        %dma_wait3A_469 = arith.constant 0 : i32
        %dma_wait3A_470 = tpu.memref_slice %arg4[%dma_wait3A_468, %dma_wait3A_469] : memref<32x1000000xf32, #tpu.memory_space<hbm>> -> memref<32x128xf32, #tpu.memory_space<hbm>>
        tpu.wait_dma2 semaphore(%arg18 : memref<!tpu.dma_semaphore, #tpu.memory_space<semaphore_mem>>) src(%dma_wait3A_470 : memref<32x128xf32, #tpu.memory_space<hbm>>) dst(%dma_wait3A_467 : memref<32x128xf32, #tpu.memory_space<vmem>>)
        %dma_wait3A_471 = arith.constant 96 : i32
        %dma_wait3A_472 = arith.constant 0 : i32
        %dma_wait3A_473 = tpu.memref_slice %arg12[%dma_wait3A_471, %dma_wait3A_472] : memref<256x128xf32, #tpu.memory_space<vmem>> -> memref<32x128xf32, #tpu.memory_space<vmem>>
        %dma_wait3A_474 = arith.constant 0 : i32
        %dma_wait3A_475 = arith.constant 0 : i32
        %dma_wait3A_476 = tpu.memref_slice %arg5[%dma_wait3A_474, %dma_wait3A_475] : memref<32x100000xf32, #tpu.memory_space<hbm>> -> memref<32x128xf32, #tpu.memory_space<hbm>>
        %dma_wait3A_477 = arith.constant 96 : i32
        %dma_wait3A_478 = arith.constant 0 : i32
        %dma_wait3A_479 = tpu.memref_slice %arg12[%dma_wait3A_477, %dma_wait3A_478] : memref<256x128xf32, #tpu.memory_space<vmem>> -> memref<32x128xf32, #tpu.memory_space<vmem>>
        %dma_wait3A_480 = arith.constant 0 : i32
        %dma_wait3A_481 = arith.constant 0 : i32
        %dma_wait3A_482 = tpu.memref_slice %arg5[%dma_wait3A_480, %dma_wait3A_481] : memref<32x100000xf32, #tpu.memory_space<hbm>> -> memref<32x128xf32, #tpu.memory_space<hbm>>
        tpu.wait_dma2 semaphore(%arg18 : memref<!tpu.dma_semaphore, #tpu.memory_space<semaphore_mem>>) src(%dma_wait3A_482 : memref<32x128xf32, #tpu.memory_space<hbm>>) dst(%dma_wait3A_479 : memref<32x128xf32, #tpu.memory_space<vmem>>)
      } else {
      }
      %not3A_185 = arith.constant true
      %not3A_186 = arith.xori %eq3A_171, %not3A_185 : i1
      %convert_element_type3A_187 = arith.extui %not3A_186 : i1 to i32
      %cond3A_188 = arith.constant 0 : i32
      %cond3A_189 = arith.cmpi ne, %convert_element_type3A_187, %cond3A_188 : i32
      scf.if %cond3A_189 {
        %dma_wait3A_387 = arith.constant 128 : i32
        %dma_wait3A_388 = arith.constant 0 : i32
        %dma_wait3A_389 = tpu.memref_slice %arg11[%dma_wait3A_387, %dma_wait3A_388] : memref<256x128xf32, #tpu.memory_space<vmem>> -> memref<32x128xf32, #tpu.memory_space<vmem>>
        %dma_wait3A_390 = arith.constant 0 : i32
        %dma_wait3A_391 = arith.constant 0 : i32
        %dma_wait3A_392 = tpu.memref_slice %arg4[%dma_wait3A_390, %dma_wait3A_391] : memref<32x1000000xf32, #tpu.memory_space<hbm>> -> memref<32x128xf32, #tpu.memory_space<hbm>>
        %dma_wait3A_393 = arith.constant 128 : i32
        %dma_wait3A_394 = arith.constant 0 : i32
        %dma_wait3A_395 = tpu.memref_slice %arg11[%dma_wait3A_393, %dma_wait3A_394] : memref<256x128xf32, #tpu.memory_space<vmem>> -> memref<32x128xf32, #tpu.memory_space<vmem>>
        %dma_wait3A_396 = arith.constant 0 : i32
        %dma_wait3A_397 = arith.constant 0 : i32
        %dma_wait3A_398 = tpu.memref_slice %arg4[%dma_wait3A_396, %dma_wait3A_397] : memref<32x1000000xf32, #tpu.memory_space<hbm>> -> memref<32x128xf32, #tpu.memory_space<hbm>>
        tpu.wait_dma2 semaphore(%arg19 : memref<!tpu.dma_semaphore, #tpu.memory_space<semaphore_mem>>) src(%dma_wait3A_398 : memref<32x128xf32, #tpu.memory_space<hbm>>) dst(%dma_wait3A_395 : memref<32x128xf32, #tpu.memory_space<vmem>>)
        %dma_wait3A_399 = arith.constant 128 : i32
        %dma_wait3A_400 = arith.constant 0 : i32
        %dma_wait3A_401 = tpu.memref_slice %arg12[%dma_wait3A_399, %dma_wait3A_400] : memref<256x128xf32, #tpu.memory_space<vmem>> -> memref<32x128xf32, #tpu.memory_space<vmem>>
        %dma_wait3A_402 = arith.constant 0 : i32
        %dma_wait3A_403 = arith.constant 0 : i32
        %dma_wait3A_404 = tpu.memref_slice %arg5[%dma_wait3A_402, %dma_wait3A_403] : memref<32x100000xf32, #tpu.memory_space<hbm>> -> memref<32x128xf32, #tpu.memory_space<hbm>>
        %dma_wait3A_405 = arith.constant 128 : i32
        %dma_wait3A_406 = arith.constant 0 : i32
        %dma_wait3A_407 = tpu.memref_slice %arg12[%dma_wait3A_405, %dma_wait3A_406] : memref<256x128xf32, #tpu.memory_space<vmem>> -> memref<32x128xf32, #tpu.memory_space<vmem>>
        %dma_wait3A_408 = arith.constant 0 : i32
        %dma_wait3A_409 = arith.constant 0 : i32
        %dma_wait3A_410 = tpu.memref_slice %arg5[%dma_wait3A_408, %dma_wait3A_409] : memref<32x100000xf32, #tpu.memory_space<hbm>> -> memref<32x128xf32, #tpu.memory_space<hbm>>
        tpu.wait_dma2 semaphore(%arg19 : memref<!tpu.dma_semaphore, #tpu.memory_space<semaphore_mem>>) src(%dma_wait3A_410 : memref<32x128xf32, #tpu.memory_space<hbm>>) dst(%dma_wait3A_407 : memref<32x128xf32, #tpu.memory_space<vmem>>)
        %dma_wait3A_411 = arith.constant 160 : i32
        %dma_wait3A_412 = arith.constant 0 : i32
        %dma_wait3A_413 = tpu.memref_slice %arg11[%dma_wait3A_411, %dma_wait3A_412] : memref<256x128xf32, #tpu.memory_space<vmem>> -> memref<32x128xf32, #tpu.memory_space<vmem>>
        %dma_wait3A_414 = arith.constant 0 : i32
        %dma_wait3A_415 = arith.constant 0 : i32
        %dma_wait3A_416 = tpu.memref_slice %arg4[%dma_wait3A_414, %dma_wait3A_415] : memref<32x1000000xf32, #tpu.memory_space<hbm>> -> memref<32x128xf32, #tpu.memory_space<hbm>>
        %dma_wait3A_417 = arith.constant 160 : i32
        %dma_wait3A_418 = arith.constant 0 : i32
        %dma_wait3A_419 = tpu.memref_slice %arg11[%dma_wait3A_417, %dma_wait3A_418] : memref<256x128xf32, #tpu.memory_space<vmem>> -> memref<32x128xf32, #tpu.memory_space<vmem>>
        %dma_wait3A_420 = arith.constant 0 : i32
        %dma_wait3A_421 = arith.constant 0 : i32
        %dma_wait3A_422 = tpu.memref_slice %arg4[%dma_wait3A_420, %dma_wait3A_421] : memref<32x1000000xf32, #tpu.memory_space<hbm>> -> memref<32x128xf32, #tpu.memory_space<hbm>>
        tpu.wait_dma2 semaphore(%arg19 : memref<!tpu.dma_semaphore, #tpu.memory_space<semaphore_mem>>) src(%dma_wait3A_422 : memref<32x128xf32, #tpu.memory_space<hbm>>) dst(%dma_wait3A_419 : memref<32x128xf32, #tpu.memory_space<vmem>>)
        %dma_wait3A_423 = arith.constant 160 : i32
        %dma_wait3A_424 = arith.constant 0 : i32
        %dma_wait3A_425 = tpu.memref_slice %arg12[%dma_wait3A_423, %dma_wait3A_424] : memref<256x128xf32, #tpu.memory_space<vmem>> -> memref<32x128xf32, #tpu.memory_space<vmem>>
        %dma_wait3A_426 = arith.constant 0 : i32
        %dma_wait3A_427 = arith.constant 0 : i32
        %dma_wait3A_428 = tpu.memref_slice %arg5[%dma_wait3A_426, %dma_wait3A_427] : memref<32x100000xf32, #tpu.memory_space<hbm>> -> memref<32x128xf32, #tpu.memory_space<hbm>>
        %dma_wait3A_429 = arith.constant 160 : i32
        %dma_wait3A_430 = arith.constant 0 : i32
        %dma_wait3A_431 = tpu.memref_slice %arg12[%dma_wait3A_429, %dma_wait3A_430] : memref<256x128xf32, #tpu.memory_space<vmem>> -> memref<32x128xf32, #tpu.memory_space<vmem>>
        %dma_wait3A_432 = arith.constant 0 : i32
        %dma_wait3A_433 = arith.constant 0 : i32
        %dma_wait3A_434 = tpu.memref_slice %arg5[%dma_wait3A_432, %dma_wait3A_433] : memref<32x100000xf32, #tpu.memory_space<hbm>> -> memref<32x128xf32, #tpu.memory_space<hbm>>
        tpu.wait_dma2 semaphore(%arg19 : memref<!tpu.dma_semaphore, #tpu.memory_space<semaphore_mem>>) src(%dma_wait3A_434 : memref<32x128xf32, #tpu.memory_space<hbm>>) dst(%dma_wait3A_431 : memref<32x128xf32, #tpu.memory_space<vmem>>)
        %dma_wait3A_435 = arith.constant 192 : i32
        %dma_wait3A_436 = arith.constant 0 : i32
        %dma_wait3A_437 = tpu.memref_slice %arg11[%dma_wait3A_435, %dma_wait3A_436] : memref<256x128xf32, #tpu.memory_space<vmem>> -> memref<32x128xf32, #tpu.memory_space<vmem>>
        %dma_wait3A_438 = arith.constant 0 : i32
        %dma_wait3A_439 = arith.constant 0 : i32
        %dma_wait3A_440 = tpu.memref_slice %arg4[%dma_wait3A_438, %dma_wait3A_439] : memref<32x1000000xf32, #tpu.memory_space<hbm>> -> memref<32x128xf32, #tpu.memory_space<hbm>>
        %dma_wait3A_441 = arith.constant 192 : i32
        %dma_wait3A_442 = arith.constant 0 : i32
        %dma_wait3A_443 = tpu.memref_slice %arg11[%dma_wait3A_441, %dma_wait3A_442] : memref<256x128xf32, #tpu.memory_space<vmem>> -> memref<32x128xf32, #tpu.memory_space<vmem>>
        %dma_wait3A_444 = arith.constant 0 : i32
        %dma_wait3A_445 = arith.constant 0 : i32
        %dma_wait3A_446 = tpu.memref_slice %arg4[%dma_wait3A_444, %dma_wait3A_445] : memref<32x1000000xf32, #tpu.memory_space<hbm>> -> memref<32x128xf32, #tpu.memory_space<hbm>>
        tpu.wait_dma2 semaphore(%arg19 : memref<!tpu.dma_semaphore, #tpu.memory_space<semaphore_mem>>) src(%dma_wait3A_446 : memref<32x128xf32, #tpu.memory_space<hbm>>) dst(%dma_wait3A_443 : memref<32x128xf32, #tpu.memory_space<vmem>>)
        %dma_wait3A_447 = arith.constant 192 : i32
        %dma_wait3A_448 = arith.constant 0 : i32
        %dma_wait3A_449 = tpu.memref_slice %arg12[%dma_wait3A_447, %dma_wait3A_448] : memref<256x128xf32, #tpu.memory_space<vmem>> -> memref<32x128xf32, #tpu.memory_space<vmem>>
        %dma_wait3A_450 = arith.constant 0 : i32
        %dma_wait3A_451 = arith.constant 0 : i32
        %dma_wait3A_452 = tpu.memref_slice %arg5[%dma_wait3A_450, %dma_wait3A_451] : memref<32x100000xf32, #tpu.memory_space<hbm>> -> memref<32x128xf32, #tpu.memory_space<hbm>>
        %dma_wait3A_453 = arith.constant 192 : i32
        %dma_wait3A_454 = arith.constant 0 : i32
        %dma_wait3A_455 = tpu.memref_slice %arg12[%dma_wait3A_453, %dma_wait3A_454] : memref<256x128xf32, #tpu.memory_space<vmem>> -> memref<32x128xf32, #tpu.memory_space<vmem>>
        %dma_wait3A_456 = arith.constant 0 : i32
        %dma_wait3A_457 = arith.constant 0 : i32
        %dma_wait3A_458 = tpu.memref_slice %arg5[%dma_wait3A_456, %dma_wait3A_457] : memref<32x100000xf32, #tpu.memory_space<hbm>> -> memref<32x128xf32, #tpu.memory_space<hbm>>
        tpu.wait_dma2 semaphore(%arg19 : memref<!tpu.dma_semaphore, #tpu.memory_space<semaphore_mem>>) src(%dma_wait3A_458 : memref<32x128xf32, #tpu.memory_space<hbm>>) dst(%dma_wait3A_455 : memref<32x128xf32, #tpu.memory_space<vmem>>)
        %dma_wait3A_459 = arith.constant 224 : i32
        %dma_wait3A_460 = arith.constant 0 : i32
        %dma_wait3A_461 = tpu.memref_slice %arg11[%dma_wait3A_459, %dma_wait3A_460] : memref<256x128xf32, #tpu.memory_space<vmem>> -> memref<32x128xf32, #tpu.memory_space<vmem>>
        %dma_wait3A_462 = arith.constant 0 : i32
        %dma_wait3A_463 = arith.constant 0 : i32
        %dma_wait3A_464 = tpu.memref_slice %arg4[%dma_wait3A_462, %dma_wait3A_463] : memref<32x1000000xf32, #tpu.memory_space<hbm>> -> memref<32x128xf32, #tpu.memory_space<hbm>>
        %dma_wait3A_465 = arith.constant 224 : i32
        %dma_wait3A_466 = arith.constant 0 : i32
        %dma_wait3A_467 = tpu.memref_slice %arg11[%dma_wait3A_465, %dma_wait3A_466] : memref<256x128xf32, #tpu.memory_space<vmem>> -> memref<32x128xf32, #tpu.memory_space<vmem>>
        %dma_wait3A_468 = arith.constant 0 : i32
        %dma_wait3A_469 = arith.constant 0 : i32
        %dma_wait3A_470 = tpu.memref_slice %arg4[%dma_wait3A_468, %dma_wait3A_469] : memref<32x1000000xf32, #tpu.memory_space<hbm>> -> memref<32x128xf32, #tpu.memory_space<hbm>>
        tpu.wait_dma2 semaphore(%arg19 : memref<!tpu.dma_semaphore, #tpu.memory_space<semaphore_mem>>) src(%dma_wait3A_470 : memref<32x128xf32, #tpu.memory_space<hbm>>) dst(%dma_wait3A_467 : memref<32x128xf32, #tpu.memory_space<vmem>>)
        %dma_wait3A_471 = arith.constant 224 : i32
        %dma_wait3A_472 = arith.constant 0 : i32
        %dma_wait3A_473 = tpu.memref_slice %arg12[%dma_wait3A_471, %dma_wait3A_472] : memref<256x128xf32, #tpu.memory_space<vmem>> -> memref<32x128xf32, #tpu.memory_space<vmem>>
        %dma_wait3A_474 = arith.constant 0 : i32
        %dma_wait3A_475 = arith.constant 0 : i32
        %dma_wait3A_476 = tpu.memref_slice %arg5[%dma_wait3A_474, %dma_wait3A_475] : memref<32x100000xf32, #tpu.memory_space<hbm>> -> memref<32x128xf32, #tpu.memory_space<hbm>>
        %dma_wait3A_477 = arith.constant 224 : i32
        %dma_wait3A_478 = arith.constant 0 : i32
        %dma_wait3A_479 = tpu.memref_slice %arg12[%dma_wait3A_477, %dma_wait3A_478] : memref<256x128xf32, #tpu.memory_space<vmem>> -> memref<32x128xf32, #tpu.memory_space<vmem>>
        %dma_wait3A_480 = arith.constant 0 : i32
        %dma_wait3A_481 = arith.constant 0 : i32
        %dma_wait3A_482 = tpu.memref_slice %arg5[%dma_wait3A_480, %dma_wait3A_481] : memref<32x100000xf32, #tpu.memory_space<hbm>> -> memref<32x128xf32, #tpu.memory_space<hbm>>
        tpu.wait_dma2 semaphore(%arg19 : memref<!tpu.dma_semaphore, #tpu.memory_space<semaphore_mem>>) src(%dma_wait3A_482 : memref<32x128xf32, #tpu.memory_space<hbm>>) dst(%dma_wait3A_479 : memref<32x128xf32, #tpu.memory_space<vmem>>)
      } else {
      }
      %and3A_190 = arith.constant 1 : i32
      %and3A_191 = arith.andi %scan3A_169, %and3A_190 : i32
      %mul3A_192 = arith.constant 4 : i32
      %mul3A_193 = arith.muli %and3A_191, %mul3A_192 : i32
      %mul3A_194 = arith.constant 32 : i32
      %mul3A_195 = arith.muli %mul3A_193, %mul3A_194 : i32
      %mul3A_196 = arith.constant 4 : i32
      %mul3A_197 = arith.muli %scan3A_169, %mul3A_196 : i32
      %get3A_198 = arith.index_cast %mul3A_197 : i32 to index
      %get3A_199 = tpu.vector_load %arg9[%get3A_198] {strides = array<i32>} : memref<528xi32, #tpu.memory_space<vmem>>, vector<16xi32>,
      %mul3A_200 = arith.constant 4 : i32
      %mul3A_201 = arith.muli %scan3A_169, %mul3A_200 : i32
      %get3A_202 = arith.index_cast %mul3A_201 : i32 to index
      %get3A_203 = tpu.vector_load %arg10[%get3A_202] {strides = array<i32>} : memref<528xi32, #tpu.memory_space<vmem>>, vector<16xi32>,
      %slice3A_204 = vector.extract_strided_slice %get3A_199 {offsets = [0], sizes = [1], strides = [1]} : vector<16xi32> to vector<1xi32>
      %squeeze3A_205 = vector.extract %slice3A_204[0] : i32 from vector<1xi32>
      %and3A_206 = arith.constant 127 : i32
      %and3A_207 = arith.andi %squeeze3A_205, %and3A_206 : i32
      %broadcast_in_dim3A_208 = vector.broadcast %and3A_207 : i32 to vector<16xi32>
      %slice3A_209 = vector.extract_strided_slice %get3A_203 {offsets = [0], sizes = [1], strides = [1]} : vector<16xi32> to vector<1xi32>
      %squeeze3A_210 = vector.extract %slice3A_209[0] : i32 from vector<1xi32>
      %and3A_211 = arith.constant 127 : i32
      %and3A_212 = arith.andi %squeeze3A_210, %and3A_211 : i32
      %broadcast_in_dim3A_213 = vector.broadcast %and3A_212 : i32 to vector<16xi32>
      %add3A_214 = arith.constant 0 : i32
      %add3A_215 = arith.addi %mul3A_195, %add3A_214 : i32
      %add3A_216 = vector.broadcast %add3A_215 : i32 to vector<16xi32>
      %add3A_217 = arith.addi %add3A_216, %iota3A : vector<16xi32>
      %gather3A = tpu.vector_load_idx %arg11[%add3A_217, %broadcast_in_dim3A_208] : memref<256x128xf32, #tpu.memory_space<vmem>>[vector<16xi32>, vector<16xi32>], vector<16xf32>,
      %add3A_218 = arith.constant 0 : i32
      %add3A_219 = arith.addi %mul3A_195, %add3A_218 : i32
      %add3A_220 = arith.constant 16 : i32
      %add3A_221 = arith.addi %add3A_219, %add3A_220 : i32
      %add3A_222 = vector.broadcast %add3A_221 : i32 to vector<16xi32>
      %add3A_223 = arith.addi %add3A_222, %iota3A : vector<16xi32>
      %gather3A_224 = tpu.vector_load_idx %arg11[%add3A_223, %broadcast_in_dim3A_208] : memref<256x128xf32, #tpu.memory_space<vmem>>[vector<16xi32>, vector<16xi32>], vector<16xf32>,
      %add3A_225 = arith.constant 0 : i32
      %add3A_226 = arith.addi %mul3A_195, %add3A_225 : i32
      %add3A_227 = vector.broadcast %add3A_226 : i32 to vector<16xi32>
      %add3A_228 = arith.addi %add3A_227, %iota3A : vector<16xi32>
      %gather3A_229 = tpu.vector_load_idx %arg12[%add3A_228, %broadcast_in_dim3A_213] : memref<256x128xf32, #tpu.memory_space<vmem>>[vector<16xi32>, vector<16xi32>], vector<16xf32>,
      %add3A_230 = arith.constant 0 : i32
      %add3A_231 = arith.addi %mul3A_195, %add3A_230 : i32
      %add3A_232 = arith.constant 16 : i32
      %add3A_233 = arith.addi %add3A_231, %add3A_232 : i32
      %add3A_234 = vector.broadcast %add3A_233 : i32 to vector<16xi32>
      %add3A_235 = arith.addi %add3A_234, %iota3A : vector<16xi32>
      %gather3A_236 = tpu.vector_load_idx %arg12[%add3A_235, %broadcast_in_dim3A_213] : memref<256x128xf32, #tpu.memory_space<vmem>>[vector<16xi32>, vector<16xi32>], vector<16xf32>,
      %mul3A_237 = arith.mulf %gather3A, %gather3A_229 : vector<16xf32>
      %mul3A_238 = arith.mulf %gather3A_224, %gather3A_236 : vector<16xf32>
      %add3A_239 = arith.addf %mul3A_237, %mul3A_238 : vector<16xf32>
      %mul3A_240 = arith.constant 512 : i32
      %mul3A_241 = vector.broadcast %mul3A_240 : i32 to vector<16xi32>
      %mul3A_242 = arith.muli %iota3A, %mul3A_241 : vector<16xi32>
      %mul3A_243 = arith.constant 4 : i32
      %mul3A_244 = arith.muli %scan3A_169, %mul3A_243 : i32
      %add3A_245 = arith.constant 0 : i32
      %add3A_246 = arith.addi %mul3A_244, %add3A_245 : i32
      %add3A_247 = vector.broadcast %add3A_246 : i32 to vector<16xi32>
      %add3A_248 = arith.addi %mul3A_242, %add3A_247 : vector<16xi32>
      tpu.vector_store_idx %arg13[%add3A_248], %add3A_239 : memref<8192xf32, #tpu.memory_space<vmem>>[vector<16xi32>], vector<16xf32>,
      %slice3A_249 = vector.extract_strided_slice %get3A_199 {offsets = [1], sizes = [1], strides = [1]} : vector<16xi32> to vector<1xi32>
      %squeeze3A_250 = vector.extract %slice3A_249[0] : i32 from vector<1xi32>
      %and3A_251 = arith.constant 127 : i32
      %and3A_252 = arith.andi %squeeze3A_250, %and3A_251 : i32
      %broadcast_in_dim3A_253 = vector.broadcast %and3A_252 : i32 to vector<16xi32>
      %slice3A_254 = vector.extract_strided_slice %get3A_203 {offsets = [1], sizes = [1], strides = [1]} : vector<16xi32> to vector<1xi32>
      %squeeze3A_255 = vector.extract %slice3A_254[0] : i32 from vector<1xi32>
      %and3A_256 = arith.constant 127 : i32
      %and3A_257 = arith.andi %squeeze3A_255, %and3A_256 : i32
      %broadcast_in_dim3A_258 = vector.broadcast %and3A_257 : i32 to vector<16xi32>
      %add3A_259 = arith.constant 32 : i32
      %add3A_260 = arith.addi %mul3A_195, %add3A_259 : i32
      %add3A_261 = vector.broadcast %add3A_260 : i32 to vector<16xi32>
      %add3A_262 = arith.addi %add3A_261, %iota3A : vector<16xi32>
      %gather3A_263 = tpu.vector_load_idx %arg11[%add3A_262, %broadcast_in_dim3A_253] : memref<256x128xf32, #tpu.memory_space<vmem>>[vector<16xi32>, vector<16xi32>], vector<16xf32>,
      %add3A_264 = arith.constant 32 : i32
      %add3A_265 = arith.addi %mul3A_195, %add3A_264 : i32
      %add3A_266 = arith.constant 16 : i32
      %add3A_267 = arith.addi %add3A_265, %add3A_266 : i32
      %add3A_268 = vector.broadcast %add3A_267 : i32 to vector<16xi32>
      %add3A_269 = arith.addi %add3A_268, %iota3A : vector<16xi32>
      %gather3A_270 = tpu.vector_load_idx %arg11[%add3A_269, %broadcast_in_dim3A_253] : memref<256x128xf32, #tpu.memory_space<vmem>>[vector<16xi32>, vector<16xi32>], vector<16xf32>,
      %add3A_271 = arith.constant 32 : i32
      %add3A_272 = arith.addi %mul3A_195, %add3A_271 : i32
      %add3A_273 = vector.broadcast %add3A_272 : i32 to vector<16xi32>
      %add3A_274 = arith.addi %add3A_273, %iota3A : vector<16xi32>
      %gather3A_275 = tpu.vector_load_idx %arg12[%add3A_274, %broadcast_in_dim3A_258] : memref<256x128xf32, #tpu.memory_space<vmem>>[vector<16xi32>, vector<16xi32>], vector<16xf32>,
      %add3A_276 = arith.constant 32 : i32
      %add3A_277 = arith.addi %mul3A_195, %add3A_276 : i32
      %add3A_278 = arith.constant 16 : i32
      %add3A_279 = arith.addi %add3A_277, %add3A_278 : i32
      %add3A_280 = vector.broadcast %add3A_279 : i32 to vector<16xi32>
      %add3A_281 = arith.addi %add3A_280, %iota3A : vector<16xi32>
      %gather3A_282 = tpu.vector_load_idx %arg12[%add3A_281, %broadcast_in_dim3A_258] : memref<256x128xf32, #tpu.memory_space<vmem>>[vector<16xi32>, vector<16xi32>], vector<16xf32>,
      %mul3A_283 = arith.mulf %gather3A_263, %gather3A_275 : vector<16xf32>
      %mul3A_284 = arith.mulf %gather3A_270, %gather3A_282 : vector<16xf32>
      %add3A_285 = arith.addf %mul3A_283, %mul3A_284 : vector<16xf32>
      %mul3A_286 = arith.constant 512 : i32
      %mul3A_287 = vector.broadcast %mul3A_286 : i32 to vector<16xi32>
      %mul3A_288 = arith.muli %iota3A, %mul3A_287 : vector<16xi32>
      %mul3A_289 = arith.constant 4 : i32
      %mul3A_290 = arith.muli %scan3A_169, %mul3A_289 : i32
      %add3A_291 = arith.constant 1 : i32
      %add3A_292 = arith.addi %mul3A_290, %add3A_291 : i32
      %add3A_293 = vector.broadcast %add3A_292 : i32 to vector<16xi32>
      %add3A_294 = arith.addi %mul3A_288, %add3A_293 : vector<16xi32>
      tpu.vector_store_idx %arg13[%add3A_294], %add3A_285 : memref<8192xf32, #tpu.memory_space<vmem>>[vector<16xi32>], vector<16xf32>,
      %slice3A_295 = vector.extract_strided_slice %get3A_199 {offsets = [2], sizes = [1], strides = [1]} : vector<16xi32> to vector<1xi32>
      %squeeze3A_296 = vector.extract %slice3A_295[0] : i32 from vector<1xi32>
      %and3A_297 = arith.constant 127 : i32
      %and3A_298 = arith.andi %squeeze3A_296, %and3A_297 : i32
      %broadcast_in_dim3A_299 = vector.broadcast %and3A_298 : i32 to vector<16xi32>
      %slice3A_300 = vector.extract_strided_slice %get3A_203 {offsets = [2], sizes = [1], strides = [1]} : vector<16xi32> to vector<1xi32>
      %squeeze3A_301 = vector.extract %slice3A_300[0] : i32 from vector<1xi32>
      %and3A_302 = arith.constant 127 : i32
      %and3A_303 = arith.andi %squeeze3A_301, %and3A_302 : i32
      %broadcast_in_dim3A_304 = vector.broadcast %and3A_303 : i32 to vector<16xi32>
      %add3A_305 = arith.constant 64 : i32
      %add3A_306 = arith.addi %mul3A_195, %add3A_305 : i32
      %add3A_307 = vector.broadcast %add3A_306 : i32 to vector<16xi32>
      %add3A_308 = arith.addi %add3A_307, %iota3A : vector<16xi32>
      %gather3A_309 = tpu.vector_load_idx %arg11[%add3A_308, %broadcast_in_dim3A_299] : memref<256x128xf32, #tpu.memory_space<vmem>>[vector<16xi32>, vector<16xi32>], vector<16xf32>,
      %add3A_310 = arith.constant 64 : i32
      %add3A_311 = arith.addi %mul3A_195, %add3A_310 : i32
      %add3A_312 = arith.constant 16 : i32
      %add3A_313 = arith.addi %add3A_311, %add3A_312 : i32
      %add3A_314 = vector.broadcast %add3A_313 : i32 to vector<16xi32>
      %add3A_315 = arith.addi %add3A_314, %iota3A : vector<16xi32>
      %gather3A_316 = tpu.vector_load_idx %arg11[%add3A_315, %broadcast_in_dim3A_299] : memref<256x128xf32, #tpu.memory_space<vmem>>[vector<16xi32>, vector<16xi32>], vector<16xf32>,
      %add3A_317 = arith.constant 64 : i32
      %add3A_318 = arith.addi %mul3A_195, %add3A_317 : i32
      %add3A_319 = vector.broadcast %add3A_318 : i32 to vector<16xi32>
      %add3A_320 = arith.addi %add3A_319, %iota3A : vector<16xi32>
      %gather3A_321 = tpu.vector_load_idx %arg12[%add3A_320, %broadcast_in_dim3A_304] : memref<256x128xf32, #tpu.memory_space<vmem>>[vector<16xi32>, vector<16xi32>], vector<16xf32>,
      %add3A_322 = arith.constant 64 : i32
      %add3A_323 = arith.addi %mul3A_195, %add3A_322 : i32
      %add3A_324 = arith.constant 16 : i32
      %add3A_325 = arith.addi %add3A_323, %add3A_324 : i32
      %add3A_326 = vector.broadcast %add3A_325 : i32 to vector<16xi32>
      %add3A_327 = arith.addi %add3A_326, %iota3A : vector<16xi32>
      %gather3A_328 = tpu.vector_load_idx %arg12[%add3A_327, %broadcast_in_dim3A_304] : memref<256x128xf32, #tpu.memory_space<vmem>>[vector<16xi32>, vector<16xi32>], vector<16xf32>,
      %mul3A_329 = arith.mulf %gather3A_309, %gather3A_321 : vector<16xf32>
      %mul3A_330 = arith.mulf %gather3A_316, %gather3A_328 : vector<16xf32>
      %add3A_331 = arith.addf %mul3A_329, %mul3A_330 : vector<16xf32>
      %mul3A_332 = arith.constant 512 : i32
      %mul3A_333 = vector.broadcast %mul3A_332 : i32 to vector<16xi32>
      %mul3A_334 = arith.muli %iota3A, %mul3A_333 : vector<16xi32>
      %mul3A_335 = arith.constant 4 : i32
      %mul3A_336 = arith.muli %scan3A_169, %mul3A_335 : i32
      %add3A_337 = arith.constant 2 : i32
      %add3A_338 = arith.addi %mul3A_336, %add3A_337 : i32
      %add3A_339 = vector.broadcast %add3A_338 : i32 to vector<16xi32>
      %add3A_340 = arith.addi %mul3A_334, %add3A_339 : vector<16xi32>
      tpu.vector_store_idx %arg13[%add3A_340], %add3A_331 : memref<8192xf32, #tpu.memory_space<vmem>>[vector<16xi32>], vector<16xf32>,
      %slice3A_341 = vector.extract_strided_slice %get3A_199 {offsets = [3], sizes = [1], strides = [1]} : vector<16xi32> to vector<1xi32>
      %squeeze3A_342 = vector.extract %slice3A_341[0] : i32 from vector<1xi32>
      %and3A_343 = arith.constant 127 : i32
      %and3A_344 = arith.andi %squeeze3A_342, %and3A_343 : i32
      %broadcast_in_dim3A_345 = vector.broadcast %and3A_344 : i32 to vector<16xi32>
      %slice3A_346 = vector.extract_strided_slice %get3A_203 {offsets = [3], sizes = [1], strides = [1]} : vector<16xi32> to vector<1xi32>
      %squeeze3A_347 = vector.extract %slice3A_346[0] : i32 from vector<1xi32>
      %and3A_348 = arith.constant 127 : i32
      %and3A_349 = arith.andi %squeeze3A_347, %and3A_348 : i32
      %broadcast_in_dim3A_350 = vector.broadcast %and3A_349 : i32 to vector<16xi32>
      %add3A_351 = arith.constant 96 : i32
      %add3A_352 = arith.addi %mul3A_195, %add3A_351 : i32
      %add3A_353 = vector.broadcast %add3A_352 : i32 to vector<16xi32>
      %add3A_354 = arith.addi %add3A_353, %iota3A : vector<16xi32>
      %gather3A_355 = tpu.vector_load_idx %arg11[%add3A_354, %broadcast_in_dim3A_345] : memref<256x128xf32, #tpu.memory_space<vmem>>[vector<16xi32>, vector<16xi32>], vector<16xf32>,
      %add3A_356 = arith.constant 96 : i32
      %add3A_357 = arith.addi %mul3A_195, %add3A_356 : i32
      %add3A_358 = arith.constant 16 : i32
      %add3A_359 = arith.addi %add3A_357, %add3A_358 : i32
      %add3A_360 = vector.broadcast %add3A_359 : i32 to vector<16xi32>
      %add3A_361 = arith.addi %add3A_360, %iota3A : vector<16xi32>
      %gather3A_362 = tpu.vector_load_idx %arg11[%add3A_361, %broadcast_in_dim3A_345] : memref<256x128xf32, #tpu.memory_space<vmem>>[vector<16xi32>, vector<16xi32>], vector<16xf32>,
      %add3A_363 = arith.constant 96 : i32
      %add3A_364 = arith.addi %mul3A_195, %add3A_363 : i32
      %add3A_365 = vector.broadcast %add3A_364 : i32 to vector<16xi32>
      %add3A_366 = arith.addi %add3A_365, %iota3A : vector<16xi32>
      %gather3A_367 = tpu.vector_load_idx %arg12[%add3A_366, %broadcast_in_dim3A_350] : memref<256x128xf32, #tpu.memory_space<vmem>>[vector<16xi32>, vector<16xi32>], vector<16xf32>,
      %add3A_368 = arith.constant 96 : i32
      %add3A_369 = arith.addi %mul3A_195, %add3A_368 : i32
      %add3A_370 = arith.constant 16 : i32
      %add3A_371 = arith.addi %add3A_369, %add3A_370 : i32
      %add3A_372 = vector.broadcast %add3A_371 : i32 to vector<16xi32>
      %add3A_373 = arith.addi %add3A_372, %iota3A : vector<16xi32>
      %gather3A_374 = tpu.vector_load_idx %arg12[%add3A_373, %broadcast_in_dim3A_350] : memref<256x128xf32, #tpu.memory_space<vmem>>[vector<16xi32>, vector<16xi32>], vector<16xf32>,
      %mul3A_375 = arith.mulf %gather3A_355, %gather3A_367 : vector<16xf32>
      %mul3A_376 = arith.mulf %gather3A_362, %gather3A_374 : vector<16xf32>
      %add3A_377 = arith.addf %mul3A_375, %mul3A_376 : vector<16xf32>
      %mul3A_378 = arith.constant 512 : i32
      %mul3A_379 = vector.broadcast %mul3A_378 : i32 to vector<16xi32>
      %mul3A_380 = arith.muli %iota3A, %mul3A_379 : vector<16xi32>
      %mul3A_381 = arith.constant 4 : i32
      %mul3A_382 = arith.muli %scan3A_169, %mul3A_381 : i32
      %add3A_383 = arith.constant 3 : i32
      %add3A_384 = arith.addi %mul3A_382, %add3A_383 : i32
      %add3A_385 = vector.broadcast %add3A_384 : i32 to vector<16xi32>
      %add3A_386 = arith.addi %mul3A_380, %add3A_385 : vector<16xi32>
      tpu.vector_store_idx %arg13[%add3A_386], %add3A_377 : memref<8192xf32, #tpu.memory_space<vmem>>[vector<16xi32>], vector<16xf32>,
    }
    %scan3A_162 = arith.constant 128 : i32
    %scan3A_163 = arith.constant 0 : i32
    %scan3A_164 = arith.constant 0 : i32
    %scan3A_165 = arith.constant 32 : i32
    %scan3A_166 = arith.addi %scan3A_164, %scan3A_165 : i32
    %scan3A_167 = arith.constant 1 : i32
    scf.for %scan3A_169 = %scan3A_164 to %scan3A_166 step %scan3A_167  : i32 {
      %mul3A_170 = arith.constant 16 : i32
      %mul3A_171 = arith.muli %scan3A_169, %mul3A_170 : i32
      %get3A_172 = arith.index_cast %mul3A_171 : i32 to index
      %get3A_173 = tpu.vector_load %arg14[%get3A_172] {strides = array<i32>} : memref<512xf32, #tpu.memory_space<vmem>>, vector<16xf32>,
      %get3A_174 = arith.index_cast %mul3A_171 : i32 to index
      %get3A_175 = tpu.vector_load %arg15[%get3A_174] {strides = array<i32>} : memref<512xf32, #tpu.memory_space<vmem>>, vector<16xf32>,
      %add3A_176 = arith.addf %get3A_173, %get3A_175 : vector<16xf32>
      %mul3A_177 = arith.constant 16 : i32
      %mul3A_178 = arith.muli %scan3A_169, %mul3A_177 : i32
      %add3A_179 = arith.constant 0 : i32
      %add3A_180 = arith.addi %add3A_179, %mul3A_178 : i32
      %get3A_181 = arith.index_cast %add3A_180 : i32 to index
      %get3A_182 = tpu.vector_load %arg13[%get3A_181] {strides = array<i32>} : memref<8192xf32, #tpu.memory_space<vmem>>, vector<16xf32>,
      %add3A_183 = arith.addf %add3A_176, %get3A_182 : vector<16xf32>
      %mul3A_184 = arith.constant 16 : i32
      %mul3A_185 = arith.muli %scan3A_169, %mul3A_184 : i32
      %add3A_186 = arith.constant 512 : i32
      %add3A_187 = arith.addi %add3A_186, %mul3A_185 : i32
      %get3A_188 = arith.index_cast %add3A_187 : i32 to index
      %get3A_189 = tpu.vector_load %arg13[%get3A_188] {strides = array<i32>} : memref<8192xf32, #tpu.memory_space<vmem>>, vector<16xf32>,
      %add3A_190 = arith.addf %add3A_183, %get3A_189 : vector<16xf32>
      %mul3A_191 = arith.constant 16 : i32
      %mul3A_192 = arith.muli %scan3A_169, %mul3A_191 : i32
      %add3A_193 = arith.constant 1024 : i32
      %add3A_194 = arith.addi %add3A_193, %mul3A_192 : i32
      %get3A_195 = arith.index_cast %add3A_194 : i32 to index
      %get3A_196 = tpu.vector_load %arg13[%get3A_195] {strides = array<i32>} : memref<8192xf32, #tpu.memory_space<vmem>>, vector<16xf32>,
      %add3A_197 = arith.addf %add3A_190, %get3A_196 : vector<16xf32>
      %mul3A_198 = arith.constant 16 : i32
      %mul3A_199 = arith.muli %scan3A_169, %mul3A_198 : i32
      %add3A_200 = arith.constant 1536 : i32
      %add3A_201 = arith.addi %add3A_200, %mul3A_199 : i32
      %get3A_202 = arith.index_cast %add3A_201 : i32 to index
      %get3A_203 = tpu.vector_load %arg13[%get3A_202] {strides = array<i32>} : memref<8192xf32, #tpu.memory_space<vmem>>, vector<16xf32>,
      %add3A_204 = arith.addf %add3A_197, %get3A_203 : vector<16xf32>
      %mul3A_205 = arith.constant 16 : i32
      %mul3A_206 = arith.muli %scan3A_169, %mul3A_205 : i32
      %add3A_207 = arith.constant 2048 : i32
      %add3A_208 = arith.addi %add3A_207, %mul3A_206 : i32
      %get3A_209 = arith.index_cast %add3A_208 : i32 to index
      %get3A_210 = tpu.vector_load %arg13[%get3A_209] {strides = array<i32>} : memref<8192xf32, #tpu.memory_space<vmem>>, vector<16xf32>,
      %add3A_211 = arith.addf %add3A_204, %get3A_210 : vector<16xf32>
      %mul3A_212 = arith.constant 16 : i32
      %mul3A_213 = arith.muli %scan3A_169, %mul3A_212 : i32
      %add3A_214 = arith.constant 2560 : i32
      %add3A_215 = arith.addi %add3A_214, %mul3A_213 : i32
      %get3A_216 = arith.index_cast %add3A_215 : i32 to index
      %get3A_217 = tpu.vector_load %arg13[%get3A_216] {strides = array<i32>} : memref<8192xf32, #tpu.memory_space<vmem>>, vector<16xf32>,
      %add3A_218 = arith.addf %add3A_211, %get3A_217 : vector<16xf32>
      %mul3A_219 = arith.constant 16 : i32
      %mul3A_220 = arith.muli %scan3A_169, %mul3A_219 : i32
      %add3A_221 = arith.constant 3072 : i32
      %add3A_222 = arith.addi %add3A_221, %mul3A_220 : i32
      %get3A_223 = arith.index_cast %add3A_222 : i32 to index
      %get3A_224 = tpu.vector_load %arg13[%get3A_223] {strides = array<i32>} : memref<8192xf32, #tpu.memory_space<vmem>>, vector<16xf32>,
      %add3A_225 = arith.addf %add3A_218, %get3A_224 : vector<16xf32>
      %mul3A_226 = arith.constant 16 : i32
      %mul3A_227 = arith.muli %scan3A_169, %mul3A_226 : i32
      %add3A_228 = arith.constant 3584 : i32
      %add3A_229 = arith.addi %add3A_228, %mul3A_227 : i32
      %get3A_230 = arith.index_cast %add3A_229 : i32 to index
      %get3A_231 = tpu.vector_load %arg13[%get3A_230] {strides = array<i32>} : memref<8192xf32, #tpu.memory_space<vmem>>, vector<16xf32>,
      %add3A_232 = arith.addf %add3A_225, %get3A_231 : vector<16xf32>
      %mul3A_233 = arith.constant 16 : i32
      %mul3A_234 = arith.muli %scan3A_169, %mul3A_233 : i32
      %add3A_235 = arith.constant 4096 : i32
      %add3A_236 = arith.addi %add3A_235, %mul3A_234 : i32
      %get3A_237 = arith.index_cast %add3A_236 : i32 to index
      %get3A_238 = tpu.vector_load %arg13[%get3A_237] {strides = array<i32>} : memref<8192xf32, #tpu.memory_space<vmem>>, vector<16xf32>,
      %add3A_239 = arith.addf %add3A_232, %get3A_238 : vector<16xf32>
      %mul3A_240 = arith.constant 16 : i32
      %mul3A_241 = arith.muli %scan3A_169, %mul3A_240 : i32
      %add3A_242 = arith.constant 4608 : i32
      %add3A_243 = arith.addi %add3A_242, %mul3A_241 : i32
      %get3A_244 = arith.index_cast %add3A_243 : i32 to index
      %get3A_245 = tpu.vector_load %arg13[%get3A_244] {strides = array<i32>} : memref<8192xf32, #tpu.memory_space<vmem>>, vector<16xf32>,
      %add3A_246 = arith.addf %add3A_239, %get3A_245 : vector<16xf32>
      %mul3A_247 = arith.constant 16 : i32
      %mul3A_248 = arith.muli %scan3A_169, %mul3A_247 : i32
      %add3A_249 = arith.constant 5120 : i32
      %add3A_250 = arith.addi %add3A_249, %mul3A_248 : i32
      %get3A_251 = arith.index_cast %add3A_250 : i32 to index
      %get3A_252 = tpu.vector_load %arg13[%get3A_251] {strides = array<i32>} : memref<8192xf32, #tpu.memory_space<vmem>>, vector<16xf32>,
      %add3A_253 = arith.addf %add3A_246, %get3A_252 : vector<16xf32>
      %mul3A_254 = arith.constant 16 : i32
      %mul3A_255 = arith.muli %scan3A_169, %mul3A_254 : i32
      %add3A_256 = arith.constant 5632 : i32
      %add3A_257 = arith.addi %add3A_256, %mul3A_255 : i32
      %get3A_258 = arith.index_cast %add3A_257 : i32 to index
      %get3A_259 = tpu.vector_load %arg13[%get3A_258] {strides = array<i32>} : memref<8192xf32, #tpu.memory_space<vmem>>, vector<16xf32>,
      %add3A_260 = arith.addf %add3A_253, %get3A_259 : vector<16xf32>
      %mul3A_261 = arith.constant 16 : i32
      %mul3A_262 = arith.muli %scan3A_169, %mul3A_261 : i32
      %add3A_263 = arith.constant 6144 : i32
      %add3A_264 = arith.addi %add3A_263, %mul3A_262 : i32
      %get3A_265 = arith.index_cast %add3A_264 : i32 to index
      %get3A_266 = tpu.vector_load %arg13[%get3A_265] {strides = array<i32>} : memref<8192xf32, #tpu.memory_space<vmem>>, vector<16xf32>,
      %add3A_267 = arith.addf %add3A_260, %get3A_266 : vector<16xf32>
      %mul3A_268 = arith.constant 16 : i32
      %mul3A_269 = arith.muli %scan3A_169, %mul3A_268 : i32
      %add3A_270 = arith.constant 6656 : i32
      %add3A_271 = arith.addi %add3A_270, %mul3A_269 : i32
      %get3A_272 = arith.index_cast %add3A_271 : i32 to index
      %get3A_273 = tpu.vector_load %arg13[%get3A_272] {strides = array<i32>} : memref<8192xf32, #tpu.memory_space<vmem>>, vector<16xf32>,
      %add3A_274 = arith.addf %add3A_267, %get3A_273 : vector<16xf32>
      %mul3A_275 = arith.constant 16 : i32
      %mul3A_276 = arith.muli %scan3A_169, %mul3A_275 : i32
      %add3A_277 = arith.constant 7168 : i32
      %add3A_278 = arith.addi %add3A_277, %mul3A_276 : i32
      %get3A_279 = arith.index_cast %add3A_278 : i32 to index
      %get3A_280 = tpu.vector_load %arg13[%get3A_279] {strides = array<i32>} : memref<8192xf32, #tpu.memory_space<vmem>>, vector<16xf32>,
      %add3A_281 = arith.addf %add3A_274, %get3A_280 : vector<16xf32>
      %mul3A_282 = arith.constant 16 : i32
      %mul3A_283 = arith.muli %scan3A_169, %mul3A_282 : i32
      %add3A_284 = arith.constant 7680 : i32
      %add3A_285 = arith.addi %add3A_284, %mul3A_283 : i32
      %get3A_286 = arith.index_cast %add3A_285 : i32 to index
      %get3A_287 = tpu.vector_load %arg13[%get3A_286] {strides = array<i32>} : memref<8192xf32, #tpu.memory_space<vmem>>, vector<16xf32>,
      %add3A_288 = arith.addf %add3A_281, %get3A_287 : vector<16xf32>
      %swap3A_289 = arith.index_cast %mul3A_171 : i32 to index
      %swap3A_290 = tpu.vector_load %arg16[%swap3A_289] {strides = array<i32>} : memref<512xf32, #tpu.memory_space<vmem>>, vector<16xf32>,
      tpu.vector_store %arg16[%swap3A_289], %add3A_288 {strides = array<i32>} : memref<512xf32, #tpu.memory_space<vmem>>, vector<16xf32>,
    }
    %scan3A_168 = arith.constant 32 : i32
    "tpu.region"() ({
      %run_scoped3A = tpu.sem_alloc : memref<!tpu.dma_semaphore, #tpu.memory_space<semaphore_mem>>
      %dma_start3A_169 = tpu.memref_slice %arg8[%mul3A_2] : memref<16384xf32, #tpu.memory_space<hbm>> -> memref<512xf32, #tpu.memory_space<hbm>>
      %dma_start3A_170 = tpu.memref_slice %arg8[%mul3A_2] : memref<16384xf32, #tpu.memory_space<hbm>> -> memref<512xf32, #tpu.memory_space<hbm>>
      tpu.enqueue_dma source(%arg16 : memref<512xf32, #tpu.memory_space<vmem>>) target(%dma_start3A_170 : memref<512xf32, #tpu.memory_space<hbm>>) target_semaphore(%run_scoped3A : memref<!tpu.dma_semaphore, #tpu.memory_space<semaphore_mem>>)
      %dma_wait3A_171 = tpu.memref_slice %arg8[%mul3A_2] : memref<16384xf32, #tpu.memory_space<hbm>> -> memref<512xf32, #tpu.memory_space<hbm>>
      %dma_wait3A_172 = tpu.memref_slice %arg8[%mul3A_2] : memref<16384xf32, #tpu.memory_space<hbm>> -> memref<512xf32, #tpu.memory_space<hbm>>
      tpu.wait_dma2 semaphore(%run_scoped3A : memref<!tpu.dma_semaphore, #tpu.memory_space<semaphore_mem>>) src(%arg16 : memref<512xf32, #tpu.memory_space<vmem>>) dst(%dma_wait3A_172 : memref<512xf32, #tpu.memory_space<hbm>>)
      tpu.yield
    }) : () -> ()
    return
  }
}

</mosaic_0001>

<sc_bundles>
// kernel: kernel.3.cloned.1.call-start
scs
__scs_entry_jumppad:
0x0: {  	(pc) =	sbr.rel $0x88, $3  }
0x1: {  	(tag) =	ssettag $0x0;
	lr =	simm.s32 $0x1  }
0x2: {  	[smem:$0x3F9B] =	sst lr;
	_ =	strace $0xD0000000  }
0x3: {  	_ = 	snop  }
0x4: {  	_ = 	snop  }
0x5: {  	_ = 	snop  }
0x6: {  	_ = 	snop  }
0x7: {  	_ = 	snop  }
__scs_overlays_trampoline_lowered:
0x8: {  	[smem:$0x3FAA] =	sst s0  }
0x9: {  	[smem:$0x3FAB] =	sst s1  }
0xa: {  	[smem:$0x3FAC] =	sst s2  }
0xb: {  	[smem:$0x3FAD] =	sst s3  }
0xc: {  	[smem:$0x3FAE] =	sst s4  }
0xd: {  	[smem:$0x3FAF] =	sst s5  }
0xe: {  	[smem:$0x3FB0] =	sst s6  }
0xf: {  	[smem:$0x3FB1] =	sst s7  }
0x10: {  	[smem:$0x3FB2] =	sst s8  }
0x11: {  	[smem:$0x3FB3] =	sst s9;
	s0 =	simm.s32 @!p0 $0x0  }
0x12: {  	s1 =	sld [smem:$0x3F99];
	s0 =	simm.s32 @p0 $0x1  }
0x13: {  	[smem:$0x3FB4] =	sst s0;
	s0 =	simm.s32 @!p1 $0x0  }
0x14: {  	s2 =	sld [smem:$0x3F98];
	s0 =	simm.s32 @p1 $0x1  }
0x15: {  	[smem:$0x3FB5] =	sst s0;
	s0 =	simm.s32 @!p2 $0x0  }
0x16: {  	s3 =	sld [smem:$0x3FDB];
	s0 =	simm.s32 @p2 $0x1  }
0x17: {  	s4 =	simm.s32 $0x1BF5;
	[smem:$0x3FB7] =	sst s0  }
0x18: {  	s0 =	sld [smem:$0x3F9A];
	_ =	swait.ge [sflag:s4], $0x0  }
0x19: {  	s7 =	sld [smem:$0x3F9B]  }
0x1a: {  	s8 =	sadd.s32 $0xFFFFE003, lr  }
0x1b: {  	s9 =	sadd.s32 $0xFFFFFEF7, lr;
	s5 =	simm.s32 $0xFFFFFFFF;
	p2 =	slt.u32 s8, $0xFFFFF086  }
0x1c: {  	p1 =	slt.u32 s9, $0xF7A;
	s5 =	simm.s32 @!p2 $0x0  }
0x1d: {  	s5 =	simm.s32 @p1 $0x1;
	p0 =	seq.s32 s7, s2  }
0x1e: {  	s7 =	smul.u32 @!p0 $0xF7A, s2;
	p2 =	seq.s32 @!p0 s5, $0x0  }
0x1f: {  	s9 =	smul.u32 $0xF7A, s1;
	s8 =	simm.s32 @!p0 $0x1BF5;
	p2 =	por !p2, p0  }
0x20: {  	[sflag:s8] =	ssyncset.s32 @!p0 $0xFFFFF086;
	s6 =	sadd.s32 @!p0 s3, s7;
	s7 =	simm.s32 @!p0 $0x108  }
0x21: {  	s3 =	sadd.s32 s3, s9;
	s6 =	sadd.s32 @!p0 $0x88, s6;
	s7 =	simm.s32 @p2 $0x1082  }
0x22: {  	[simem:s7], [sflag:s8] =	dma.local @!p0 [hbm:s6], $0xF7A  }
0x23: {  	s9 =	sor.u32 $0xD0000000, s2;
	s6 =	simm.s32 $0x108;
	_ =	swait.ge @!p0 [sflag:s8], $0x0  }
0x24: {  	s3 =	sadd.s32 $0x88, s3;
	s6 =	simm.s32 @!p1 $0x1082;
	[sflag:s4] =	ssyncset.s32 $0xFFFFF086  }
0x25: {  	[simem:s6], [sflag:s4] =	dma.local [hbm:s3], $0xF7A  }
0x26: {  	[smem:$0x3F9B] =	sst s1;
	(tag) =	ssettag s2;
	_ =	strace s9  }
0x27: {  	s1 =	sld [smem:$0x3FAB]  }
0x28: {  	s2 =	sld [smem:$0x3FAC]  }
0x29: {  	s4 =	sld [smem:$0x3FAE]  }
0x2a: {  	p0 =	seq.s32 s5, $0x0;
	s5 =	sld [smem:$0x3FAF]  }
0x2b: {  	s6 =	sld [smem:$0x3FB0]  }
0x2c: {  	s7 =	sld [smem:$0x3FB1]  }
0x2d: {  	s3 =	simm.s32 $0x108;
	s8 =	sld [smem:$0x3FB2]  }
0x2e: {  	s3 =	simm.s32 @!p0 $0x1082;
	s9 =	sld [smem:$0x3FB3]  }
0x2f: {  	lr =	sadd.s32 s0, s3;
	s0 =	sld [smem:$0x3FAA]  }
0x30: {  	s3 =	sld [smem:$0x3FAD]  }
0x31: {  	[smem:$0x3FB6] =	sst s10  }
0x32: {  	s10 =	sld [smem:$0x3FB4];
	_ =	sdelay $0x3  }
0x33: {  	p0 =	seq.s32 s10, $0x1;
	s10 =	sld [smem:$0x3FB6];
	_ =	sdelay $0x3  }
0x34: {  	[smem:$0x3FB6] =	sst s10  }
0x35: {  	s10 =	sld [smem:$0x3FB5];
	_ =	sdelay $0x3  }
0x36: {  	p1 =	seq.s32 s10, $0x1;
	s10 =	sld [smem:$0x3FB6];
	_ =	sdelay $0x3  }
0x37: {  	[smem:$0x3FB6] =	sst s10  }
0x38: {  	s10 =	sld [smem:$0x3FB7]  }
0x39: {  	_ = 	snop;
	(pc) =	sbr.ind lr, $3  }
0x3a: {  	_ = 	snop  }
0x3b: {  	_ = 	snop  }
0x3c: {  	p2 =	seq.s32 s10, $0x1;
	s10 =	sld [smem:$0x3FB6]  }
0x3d: {  	_ =	shalt  }
0x3e: {  	_ =	shalt  }
0x3f: {  	_ =	shalt  }
0x40: {  	_ =	shalt  }
0x41: {  	_ =	shalt  }
0x42: {  	_ =	shalt  }
0x43: {  	_ =	shalt  }
0x44: {  	_ =	shalt  }
0x45: {  	_ =	shalt  }
0x46: {  	_ =	shalt  }
0x47: {  	_ =	shalt  }
0x48: {  	_ =	shalt  }
0x49: {  	_ =	shalt  }
0x4a: {  	_ =	shalt  }
0x4b: {  	_ =	shalt  }
0x4c: {  	_ =	shalt  }
0x4d: {  	_ =	shalt  }
0x4e: {  	_ =	shalt  }
0x4f: {  	_ =	shalt  }
0x50: {  	_ =	shalt  }
0x51: {  	_ =	shalt  }
0x52: {  	_ =	shalt  }
0x53: {  	_ =	shalt  }
0x54: {  	_ =	shalt  }
0x55: {  	_ =	shalt  }
0x56: {  	_ =	shalt  }
0x57: {  	_ =	shalt  }
0x58: {  	_ =	shalt  }
0x59: {  	_ =	shalt  }
0x5a: {  	_ =	shalt  }
0x5b: {  	_ =	shalt  }
0x5c: {  	_ =	shalt  }
0x5d: {  	_ =	shalt  }
0x5e: {  	_ =	shalt  }
0x5f: {  	_ =	shalt  }
0x60: {  	_ =	shalt  }
0x61: {  	_ =	shalt  }
0x62: {  	_ =	shalt  }
0x63: {  	_ =	shalt  }
0x64: {  	_ =	shalt  }
0x65: {  	_ =	shalt  }
0x66: {  	_ =	shalt  }
0x67: {  	_ =	shalt  }
0x68: {  	_ =	shalt  }
0x69: {  	_ =	shalt  }
0x6a: {  	_ =	shalt  }
0x6b: {  	_ =	shalt  }
0x6c: {  	_ =	shalt  }
0x6d: {  	_ =	shalt  }
0x6e: {  	_ =	shalt  }
0x6f: {  	_ =	shalt  }
0x70: {  	_ =	shalt  }
0x71: {  	_ =	shalt  }
0x72: {  	_ =	shalt  }
0x73: {  	_ =	shalt  }
0x74: {  	_ =	shalt  }
0x75: {  	_ =	shalt  }
0x76: {  	_ =	shalt  }
0x77: {  	_ =	shalt  }
0x78: {  	_ =	shalt  }
0x79: {  	_ =	shalt  }
0x7a: {  	_ =	shalt  }
0x7b: {  	_ =	shalt  }
0x7c: {  	_ =	shalt  }
0x7d: {  	_ =	shalt  }
0x7e: {  	_ =	shalt  }
0x7f: {  	_ =	shalt  }
0x80: {  	_ =	shalt  }
0x81: {  	_ =	shalt  }
0x82: {  	_ =	shalt  }
0x83: {  	_ =	shalt  }
0x84: {  	_ =	shalt  }
0x85: {  	_ =	shalt  }
0x86: {  	_ =	shalt  }
0x87: {  	_ =	shalt  }
.Lfunc_end0:
.L_simem_size_0:
called_computation_lowered:
.L_overlay_start_0:
0x88: {  	s2 =	sld [smem:$0x3FD9]  }
0x89: {  	s3 =	sld [smem:$0x3FFE];
	_ =	sdelay $0x1  }
0x8a: {  	s1 =	srdreg.scid  }
0x8b: {  	s0 =	sand.u32 $0x1, s1  }
0x8c: {  	s17 =	sshll.u32 s0, $0xA;
	s2 =	sadd.s32 s3, s2  }
0x8d: {  	s2 =	sadd.s32 s2, s17  }
0x8e: {  	[smem:$0x3FC2] =	sst s2  }
0x8f: {  	_ = 	snop  }
0x90: {  	s2 =	sld [smem:$0x3FC9]  }
0x91: {  	s18 =	sld [smem:$0x3FC8]  }
0x92: {  	s4 =	sld [smem:$0x3FC7]  }
0x93: {  	s5 =	sld [smem:$0x3FC6]  }
0x94: {  	s6 =	sld [smem:$0x3FD0];
	(tm) =	ssettm $0x1  }
0x95: {  	s7 =	sld [smem:$0x3FFB];
	_ =	sdelay $0x3  }
0x96: {  	_ =	strace s7  }
0x97: {  	s7 =	sld [smem:$0x3FFC];
	_ =	sdelay $0x3  }
0x98: {  	_ =	strace s7  }
0x99: {  	s7 =	sld [smem:$0x3FFD];
	_ =	sdelay $0x3  }
0x9a: {  	_ =	strace s7  }
0x9b: {  	_ =	strace $0x8FFFFFFF  }
0x9c: {  	s19 =	sld [smem:$0x3FDB];
	_ =	sdelay $0x1  }
0x9d: {  	s8 =	simm.s32 $_scs_section_size  }
0x9e: {  	s9 =	simm.s32 $_size__tile_overlayer_lowered;
	s10 =	simm.s32 $_tile_overlayer_lowered  }
0x9f: {  	s22 =	simm.s32 $0x1BFF;
	s21 =	sshll.u32 s10, $0x1;
	s7 =	sadd.s32 s8, s19  }
0xa0: {  	s11 =	simm.s32 $0x0;
	s20 =	sshll.u32 s9, $0x1;
	s9 =	sadd.s32 s21, s7  }
0xa1: {  	[timem:s11], [sflag:s22] =	dma.local [hbm:s9], s20  }
0xa2: {  	_ =	swait.ge [sflag:s22], s20  }
0xa3: {  	s8 =	ssub.s32 $0x0, s20;
	[sflag:s22] =	ssyncset.done $0x0  }
0xa4: {  	[sflag:s22] =	ssyncadd.s32 s8;
	_ =	sdelay $0x1  }
0xa5: {  	s23 =	simm.s32 $0x1B8B  }
0xa6: {  	_ =	swait.ge [sflag:s23], $0x1  }
0xa7: {  	[sflag:s23] =	ssyncset.done $0x0  }
0xa8: {  	s25 =	simm.s32 $0x1B8E;
	s24 =	sld [smem:$0x3FFE];
	[sflag:s23] =	ssyncadd.s32 $0xFFFFFFFF  }
0xa9: {  	s26 =	simm.s32 $execute0_lowered;
	[smem:$0x3FD2] =	sst s25  }
0xaa: {  	s9 =	sshll.u32 s26, $0x1;
	_ =	strace $0x80000046;
	[dreg:$0x1] =	wrdreg $0xFFFFFFFF  }
0xab: {  	s28 =	simm.s32 $_size_execute0_lowered;
	s7 =	sadd.s32 s7, s9;
	[dreg:$0x0] =	wrdreg $0x0  }
0xac: {  	s9 =	sshll.u32 s28, $0x1;
	[dreg:$0x2] =	wrdreg s7  }
0xad: {  	[dreg:$0x3] =	wrdreg s9  }
0xae: {  	[dreg:$0x4] =	wrdreg $0xC0  }
0xaf: {  	_ =	task [dreg:s11], $0x5FFFF  }
0xb0: {  	[dreg:$0x1] =	wrdreg $0xFFFFFFFF  }
0xb1: {  	[dreg:$0x0] =	wrdreg $0x60  }
0xb2: {  	[dreg:$0x2] =	wrdreg s2  }
0xb3: {  	[dreg:$0x3] =	wrdreg s18  }
0xb4: {  	[dreg:$0x4] =	wrdreg s4  }
0xb5: {  	[dreg:$0x5] =	wrdreg s5  }
0xb6: {  	[dreg:$0x6] =	wrdreg s24  }
0xb7: {  	[dreg:$0x7] =	wrdreg s6  }
0xb8: {  	[dreg:$0x8] =	wrdreg $0x9  }
0xb9: {  	_ =	task.clear_ibuf [dreg:s11], $0x9FFFF;
	_ =	strace $0x90000046  }
0xba: {  	s29 =	simm.s32 $0x9;
	_ =	strace $0x80000048  }
0xbb: {  	_ =	swait.ge [sflag:s29], $0x1  }
0xbc: {  	[sflag:s29] =	ssyncadd.s32 $0xFFFFFFFF  }
0xbd: {  	_ =	strace $0x90000048  }
0xbe: {  	_ =	sfence  }
0xbf: {  	s30 =	sld [smem:$0x0];
	_ =	sdelay $0x2  }
0xc0: {  	s31 =	sshll.u32 s1, $0xD;
	s1 =	sshrl.u32 s1, $0x2  }
0xc1: {  	s3 =	sand.u32 $0x4000, s31;
	s1 =	sadd.s32 s1, s30  }
0xc2: {  	s0 =	sor.u32 s3, s0;
	s1 =	sshll.u32 s1, $0x11  }
0xc3: {  	s0 =	sor.u32 s1, s0  }
0xc4: {  	s0 =	sadd.s32 $0x8F2B, s0  }
0xc5: {  	[sflag:s0] =	ssyncadd.remote.s32 $0x1  }
0xc6: {  	_ =	sfence.sel $0xFFFF  }
0xc7: {  	[dreg:$0x0] =	wrdreg $0xFFFFFFFF;
	(pc) =	sbr.abs _section_cstart, $3  }
0xc8: {  	[dreg:$0x1] =	wrdreg $0xFFFFFFFF  }
0xc9: {  	_ =	task.clear_ibuf [dreg:s11], $0x2FFFF;
	_ =	strace $0x9FFFFFFF  }
0xca: {  	(tm) =	ssettm $0x7FFFFFFF  }
0xcb: {  	_ =	shalt  }
tec
execute0_lowered:
.L_overlay_start_1:
0x0: {  	(tag) =	ssettag $0x1  }
0x1: {  	s0 =	rddreg [dreg:$0x0]  }
0x2: {  	s3 =	rddreg [dreg:$0x1]  }
0x3: {  	s1 =	rddreg [dreg:$0x2]  }
0x4: {  	s2 =	rddreg [dreg:$0x3]  }
0x5: {  	s10 =	rddreg [dreg:$0x4]  }
0x6: {  	s4 =	rddreg [dreg:$0x5]  }
0x7: {  	s5 =	simm.s32 $0x0;
	s6 =	srdreg.scid;
	s8 =	stileid.u32  }
0x8: {  	s11 =	simm.s32 $0x280;
	s12 =	simm.s32 $0x200;
	s15 =	simm.s32 $0x1  }
0x9: {  	s16 =	simm.s32 $0x400;
	s17 =	simm.s32 $0x7A1400;
	s18 =	simm.s32 $0x500  }
0xa: {  	s19 =	simm.s32 $0xC3800;
	s20 =	simm.s32 $0x8500;
	s25 =	simm.s32 $0x3500  }
0xb: {  	s26 =	simm.s32 $0xB500;
	s28 =	simm.s32 $0x12900;
	s29 =	simm.s32 $0x4  }
0xc: {  	s30 =	simm.s32 $0x0;
	[smem:$0x7FF] =	sst s5;
	s6 =	sand.u32 $0x1, s6  }
0xd: {  	s8 =	sshll.u32 s8, $0x7;
	s7 =	ssub.s32 $0x2, s6;
	s9 =	sshll.u32 s6, $0x6  }
0xe: {  	_ =	strace $0x80000047;
	s31 =	sshrl.u32 s7, $0x1;
	s9 =	sor.u32 s9, s8  }
0xf: {  	v2 =	vlaneseq.u32;
	s6 =	sadd.s32 $0x3200, s10;
	s10 =	ssub.s32 s7, s31;
	s7 =	sadd.s32 s0, s9  }
0x10: {  	v0 =	vimm.s32 $0x0;
	v1 =	vmul.u32 $0x80, v2;
	v2 =	vmul.u32 $0x200, v2;
	s8 =	sadd.s32 s3, s9;
	s9 =	sadd.s32 s4, s9;
	s10 =	smax.u32 s10, $0x1  }
.LBB2_1:
0x11: {  	[tilespmem:s5], [sflag:$0x4] =	stream.linear.gather [hbm4b:s7+s5], $0x200, $0x38;
	[tilespmem:$0x12B00] =	vst v63  }
0x12: {  	_ =	swait.ge [sflag:s29], $0x200  }
0x13: {  	[sflag:s29] =	ssyncset.done $0x0  }
0x14: {  	[sflag:s29] =	ssyncadd.s32 $0xFFFFFE00  }
0x15: {  	[tilespmem:s11], [sflag:$0x4] =	stream.linear.gather [hbm4b:s8+s5], $0x200, $0x38;
	[tilespmem:$0x12B00] =	vst v63  }
0x16: {  	_ =	swait.ge [sflag:s29], $0x200  }
0x17: {  	[sflag:s29] =	ssyncset.done $0x0  }
0x18: {  	[sflag:s29] =	ssyncadd.s32 $0xFFFFFE00  }
0x19: {  	[tilespmem:$0x200] =	vst v0  }
0x1a: {  	s0 =	simm.s32 $0x12500;
	[tilespmem:$0x480] =	vst v0  }
0x1b: {  	[tilespmem:s0], [sflag:$0x1] =	stream.indirect.gather [hbm4b:s6+s12], $0x1, s5, s12, $0xb8;
	[tilespmem:$0x12B00] =	vst v63  }
0x1c: {  	s3 =	simm.s32 $0x12700;
	s23 =	rddreg [dreg:$0x4]  }
0x1d: {  	[tilespmem:s3], [sflag:$0x1] =	stream.indirect.gather [hbm4b:s23+s12], $0x1, s11, s12, $0xb8;
	[tilespmem:$0x12B00] =	vst v63  }
0x1e: {  	_ =	swait.ge [sflag:s15], $0x200  }
0x1f: {  	[sflag:s15] =	ssyncset.done $0x0  }
0x20: {  	[sflag:s15] =	ssyncadd.s32 $0xFFFFFE00  }
0x21: {  	_ =	swait.ge [sflag:s15], $0x200  }
0x22: {  	[sflag:s15] =	ssyncset.done $0x0  }
0x23: {  	[sflag:s15] =	ssyncadd.s32 $0xFFFFFE00  }
0x24: {  	v3 =	vld [tilespmem:$0x0]  }
0x25: {  	v4 =	vld [tilespmem:$0x280];
	_ =	sdelay $0x3  }
0x26: {  	(v2sf) =	vpush v3, $0x0  }
0x27: {  	(v2sf) =	vpush v4, $0x0;
	_ =	sdelay $0x1  }
0x28: {  	(v2sf) =	vpush v3, $0x1;
	_ =	sdelay $0x2  }
0x29: {  	(v2sf) =	vpush v4, $0x1;
	_ =	sdelay $0x2  }
0x2a: {  	(v2sf) =	vpush v3, $0x2;
	_ =	sdelay $0x5  }
0x2b: {  	s24 =	spop (v2sf);
	(v2sf) =	vpush v4, $0x2  }
0x2c: {  	s3 =	spop (v2sf);
	(v2sf) =	vpush v3, $0x3  }
0x2d: {  	s0 =	sand.u32 $0xFFFFF80, s24  }
0x2e: {  	s0 =	sadd.s32 s1, s0;
	s4 =	spop (v2sf)  }
0x2f: {  	(v2sf) =	vpush v4, $0x3;
	[tilespmem:s18], [sflag:$0x2] =	stream.strided.gather [hbm4b:s0+s16], $0x1000, s17, s16, $0x38;
	[tilespmem:$0x12B00] =	vst v63  }
0x30: {  	s0 =	sand.u32 $0xFFFFF80, s3  }
0x31: {  	s13 =	spop (v2sf);
	s0 =	sadd.s32 s2, s0  }
0x32: {  	[tilespmem:s20], [sflag:$0x2] =	stream.strided.gather [hbm4b:s0+s16], $0x1000, s19, s16, $0x38;
	[tilespmem:$0x12B00] =	vst v63  }
0x33: {  	s14 =	sand.u32 $0xFFFFF80, s13;
	s0 =	sand.u32 $0xFFFFF80, s4  }
0x34: {  	s21 =	spop (v2sf);
	s4 =	simm.s32 $0x1500;
	s0 =	sadd.s32 s1, s0  }
0x35: {  	[tilespmem:s4], [sflag:$0x2] =	stream.strided.gather [hbm4b:s0+s16], $0x1000, s17, s16, $0x38;
	[tilespmem:$0x12B00] =	vst v63  }
0x36: {  	s22 =	simm.s32 $0x9500;
	s23 =	sand.u32 $0xFFFFF80, s21;
	s0 =	sadd.s32 s2, s14  }
0x37: {  	[tilespmem:s22], [sflag:$0x2] =	stream.strided.gather [hbm4b:s0+s16], $0x1000, s19, s16, $0x38;
	[tilespmem:$0x12B00] =	vst v63  }
0x38: {  	s13 =	simm.s32 $0x2500;
	s0 =	sadd.s32 s1, s23  }
0x39: {  	[tilespmem:s13], [sflag:$0x2] =	stream.strided.gather [hbm4b:s0+s16], $0x1000, s17, s16, $0x38;
	[tilespmem:$0x12B00] =	vst v63  }
0x3a: {  	s24 =	spop (v2sf)  }
0x3b: {  	s14 =	sand.u32 $0xFFFFF80, s24;
	s21 =	spop (v2sf)  }
0x3c: {  	s22 =	simm.s32 $0xA500;
	s0 =	sadd.s32 s2, s14;
	s23 =	sand.u32 $0xFFFFF80, s21  }
0x3d: {  	[tilespmem:s22], [sflag:$0x2] =	stream.strided.gather [hbm4b:s0+s16], $0x1000, s19, s16, $0x38;
	[tilespmem:$0x12B00] =	vst v63  }
0x3e: {  	s24 =	spop (v2sf);
	s0 =	sadd.s32 s1, s23  }
0x3f: {  	[tilespmem:s25], [sflag:$0x2] =	stream.strided.gather [hbm4b:s0+s16], $0x1000, s17, s16, $0x38;
	[tilespmem:$0x12B00] =	vst v63  }
0x40: {  	s0 =	sand.u32 $0xFFFFF80, s24  }
0x41: {  	s31 =	simm.s32 $0x3;
	s0 =	sadd.s32 s2, s0  }
0x42: {  	[tilespmem:s26], [sflag:$0x2] =	stream.strided.gather [hbm4b:s0+s16], $0x1000, s19, s16, $0x38;
	[tilespmem:$0x12B00] =	vst v63  }
0x43: {  	s3 =	simm.s32 $0x0;
	s4 =	simm.s32 $0x4;
	s0 =	simm.s32 $0x284  }
.LBB2_2:
0x44: {  	s13 =	sand.u32 $0x1, s3  }
0x45: {  	p0 =	seq.s32 s13, $0x1  }
0x46: {  	v3 =	vld @!p0 [tilespmem:s4+$0x0];
	_ =	sdelay $0x3  }
0x47: {  	v4 =	vld @!p0 [tilespmem:s0+$0x0]  }
0x48: {  	(v2sf) =	vpush @!p0 v3, $0x0;
	_ =	sdelay $0x3  }
0x49: {  	(v2sf) =	vpush @!p0 v4, $0x0;
	_ =	sdelay $0x3  }
0x4a: {  	(v2sf) =	vpush @!p0 v3, $0x1;
	_ =	sdelay $0x3  }
0x4b: {  	(v2sf) =	vpush @!p0 v4, $0x1;
	_ =	sdelay $0x2  }
0x4c: {  	s14 =	spop @!p0 (v2sf)  }
0x4d: {  	s21 =	simm.s32 @!p0 $0x400;
	(v2sf) =	vpush @!p0 v3, $0x2;
	s14 =	sand.u32 @!p0 $0xFFFFF80, s14  }
0x4e: {  	s22 =	simm.s32 @!p0 $0x7A1400;
	s23 =	simm.s32 @!p0 $0x4500;
	s14 =	sadd.s32 @!p0 s1, s14  }
0x4f: {  	[tilespmem:s23], [sflag:$0x3] =	stream.strided.gather @!p0 [hbm4b:s14+s21], $0x1000, s22, s21, $0x38;
	[tilespmem:$0x12B00] =	vst v63  }
0x50: {  	s14 =	spop @!p0 (v2sf)  }
0x51: {  	(v2sf) =	vpush @!p0 v4, $0x2;
	s14 =	sand.u32 @!p0 $0xFFFFF80, s14  }
0x52: {  	s24 =	simm.s32 @!p0 $0xC500;
	s23 =	simm.s32 @!p0 $0xC3800;
	s14 =	sadd.s32 @!p0 s2, s14  }
0x53: {  	[tilespmem:s24], [sflag:$0x3] =	stream.strided.gather @!p0 [hbm4b:s14+s21], $0x1000, s23, s21, $0x38;
	[tilespmem:$0x12B00] =	vst v63  }
0x54: {  	s14 =	spop @!p0 (v2sf)  }
0x55: {  	(v2sf) =	vpush @!p0 v3, $0x3;
	s14 =	sand.u32 @!p0 $0xFFFFF80, s14  }
0x56: {  	s24 =	simm.s32 @!p0 $0x5500;
	s14 =	sadd.s32 @!p0 s1, s14  }
0x57: {  	[tilespmem:s24], [sflag:$0x3] =	stream.strided.gather @!p0 [hbm4b:s14+s21], $0x1000, s22, s21, $0x38;
	[tilespmem:$0x12B00] =	vst v63  }
0x58: {  	s14 =	spop @!p0 (v2sf)  }
0x59: {  	(v2sf) =	vpush @!p0 v4, $0x3;
	s14 =	sand.u32 @!p0 $0xFFFFF80, s14  }
0x5a: {  	s24 =	simm.s32 @!p0 $0xD500;
	s14 =	sadd.s32 @!p0 s2, s14  }
0x5b: {  	[tilespmem:s24], [sflag:$0x3] =	stream.strided.gather @!p0 [hbm4b:s14+s21], $0x1000, s23, s21, $0x38;
	[tilespmem:$0x12B00] =	vst v63  }
0x5c: {  	s14 =	spop @!p0 (v2sf)  }
0x5d: {  	s14 =	sand.u32 @!p0 $0xFFFFF80, s14  }
0x5e: {  	s24 =	simm.s32 @!p0 $0x6500;
	s14 =	sadd.s32 @!p0 s1, s14  }
0x5f: {  	[tilespmem:s24], [sflag:$0x3] =	stream.strided.gather @!p0 [hbm4b:s14+s21], $0x1000, s22, s21, $0x38;
	[tilespmem:$0x12B00] =	vst v63  }
0x60: {  	s14 =	spop @!p0 (v2sf)  }
0x61: {  	s14 =	sand.u32 @!p0 $0xFFFFF80, s14  }
0x62: {  	s24 =	simm.s32 @!p0 $0xE500;
	s14 =	sadd.s32 @!p0 s2, s14  }
0x63: {  	[tilespmem:s24], [sflag:$0x3] =	stream.strided.gather @!p0 [hbm4b:s14+s21], $0x1000, s23, s21, $0x38;
	[tilespmem:$0x12B00] =	vst v63  }
0x64: {  	s14 =	spop @!p0 (v2sf)  }
0x65: {  	s14 =	sand.u32 @!p0 $0xFFFFF80, s14  }
0x66: {  	s24 =	simm.s32 @!p0 $0x7500;
	s14 =	sadd.s32 @!p0 s1, s14  }
0x67: {  	[tilespmem:s24], [sflag:$0x3] =	stream.strided.gather @!p0 [hbm4b:s14+s21], $0x1000, s22, s21, $0x38;
	[tilespmem:$0x12B00] =	vst v63  }
0x68: {  	s14 =	spop @!p0 (v2sf)  }
0x69: {  	p1 =	seq.s32 s31, $0x1FF;
	s14 =	sand.u32 @!p0 $0xFFFFF80, s14  }
0x6a: {  	p1 =	por !p0, p1;
	s22 =	simm.s32 @!p0 $0xF500;
	s14 =	sadd.s32 @!p0 s2, s14  }
0x6b: {  	[tilespmem:s22], [sflag:$0x3] =	stream.strided.gather @!p0 [hbm4b:s14+s21], $0x1000, s23, s21, $0x38;
	[tilespmem:$0x12B00] =	vst v63  }
0x6c: {  	v3 =	vld @!p1 [tilespmem:s4+$0x0];
	_ =	sdelay $0x3  }
0x6d: {  	v4 =	vld @!p1 [tilespmem:s0+$0x0]  }
0x6e: {  	(v2sf) =	vpush @!p1 v3, $0x0;
	_ =	sdelay $0x3  }
0x6f: {  	(v2sf) =	vpush @!p1 v4, $0x0;
	_ =	sdelay $0x3  }
0x70: {  	(v2sf) =	vpush @!p1 v3, $0x1;
	_ =	sdelay $0x3  }
0x71: {  	(v2sf) =	vpush @!p1 v4, $0x1;
	_ =	sdelay $0x2  }
0x72: {  	s14 =	spop @!p1 (v2sf)  }
0x73: {  	s21 =	simm.s32 @!p1 $0x400;
	(v2sf) =	vpush @!p1 v3, $0x2;
	s14 =	sand.u32 @!p1 $0xFFFFF80, s14  }
0x74: {  	s22 =	simm.s32 @!p1 $0x7A1400;
	s23 =	simm.s32 @!p1 $0x500;
	s14 =	sadd.s32 @!p1 s1, s14  }
0x75: {  	[tilespmem:s23], [sflag:$0x2] =	stream.strided.gather @!p1 [hbm4b:s14+s21], $0x1000, s22, s21, $0x38;
	[tilespmem:$0x12B00] =	vst v63  }
0x76: {  	s14 =	spop @!p1 (v2sf)  }
0x77: {  	(v2sf) =	vpush @!p1 v4, $0x2;
	s14 =	sand.u32 @!p1 $0xFFFFF80, s14  }
0x78: {  	s24 =	simm.s32 @!p1 $0x8500;
	s23 =	simm.s32 @!p1 $0xC3800;
	s14 =	sadd.s32 @!p1 s2, s14  }
0x79: {  	[tilespmem:s24], [sflag:$0x2] =	stream.strided.gather @!p1 [hbm4b:s14+s21], $0x1000, s23, s21, $0x38;
	[tilespmem:$0x12B00] =	vst v63  }
0x7a: {  	s14 =	spop @!p1 (v2sf)  }
0x7b: {  	(v2sf) =	vpush @!p1 v3, $0x3;
	s14 =	sand.u32 @!p1 $0xFFFFF80, s14  }
0x7c: {  	s24 =	simm.s32 @!p1 $0x1500;
	s14 =	sadd.s32 @!p1 s1, s14  }
0x7d: {  	[tilespmem:s24], [sflag:$0x2] =	stream.strided.gather @!p1 [hbm4b:s14+s21], $0x1000, s22, s21, $0x38;
	[tilespmem:$0x12B00] =	vst v63  }
0x7e: {  	s14 =	spop @!p1 (v2sf)  }
0x7f: {  	(v2sf) =	vpush @!p1 v4, $0x3;
	s14 =	sand.u32 @!p1 $0xFFFFF80, s14  }
0x80: {  	s24 =	simm.s32 @!p1 $0x9500;
	s14 =	sadd.s32 @!p1 s2, s14  }
0x81: {  	[tilespmem:s24], [sflag:$0x2] =	stream.strided.gather @!p1 [hbm4b:s14+s21], $0x1000, s23, s21, $0x38;
	[tilespmem:$0x12B00] =	vst v63  }
0x82: {  	s14 =	spop @!p1 (v2sf)  }
0x83: {  	s14 =	sand.u32 @!p1 $0xFFFFF80, s14  }
0x84: {  	s24 =	simm.s32 @!p1 $0x2500;
	s14 =	sadd.s32 @!p1 s1, s14  }
0x85: {  	[tilespmem:s24], [sflag:$0x2] =	stream.strided.gather @!p1 [hbm4b:s14+s21], $0x1000, s22, s21, $0x38;
	[tilespmem:$0x12B00] =	vst v63  }
0x86: {  	s14 =	spop @!p1 (v2sf)  }
0x87: {  	s14 =	sand.u32 @!p1 $0xFFFFF80, s14  }
0x88: {  	s24 =	simm.s32 @!p1 $0xA500;
	s14 =	sadd.s32 @!p1 s2, s14  }
0x89: {  	[tilespmem:s24], [sflag:$0x2] =	stream.strided.gather @!p1 [hbm4b:s14+s21], $0x1000, s23, s21, $0x38;
	[tilespmem:$0x12B00] =	vst v63  }
0x8a: {  	s14 =	spop @!p1 (v2sf)  }
0x8b: {  	s14 =	sand.u32 @!p1 $0xFFFFF80, s14  }
0x8c: {  	s24 =	simm.s32 @!p1 $0x3500;
	s14 =	sadd.s32 @!p1 s1, s14  }
0x8d: {  	[tilespmem:s24], [sflag:$0x2] =	stream.strided.gather @!p1 [hbm4b:s14+s21], $0x1000, s22, s21, $0x38;
	[tilespmem:$0x12B00] =	vst v63  }
0x8e: {  	s14 =	spop @!p1 (v2sf)  }
0x8f: {  	s14 =	sand.u32 @!p1 $0xFFFFF80, s14  }
0x90: {  	s22 =	simm.s32 @!p1 $0xB500;
	s14 =	sadd.s32 @!p1 s2, s14  }
0x91: {  	[tilespmem:s22], [sflag:$0x2] =	stream.strided.gather @!p1 [hbm4b:s14+s21], $0x1000, s23, s21, $0x38;
	[tilespmem:$0x12B00] =	vst v63  }
0x92: {  	p1 =	sne.s32 s13, $0x0  }
0x93: {  	s14 =	simm.s32 @!p1 $0x2  }
0x94: {  	_ =	swait.ge @!p1 [sflag:s14], $0x1000  }
0x95: {  	[sflag:s14] =	ssyncset.done @!p1 $0x0  }
0x96: {  	[sflag:s14] =	ssyncadd.s32 @!p1 $0xFFFFF000  }
0x97: {  	_ =	swait.ge @!p1 [sflag:s14], $0x1000  }
0x98: {  	[sflag:s14] =	ssyncset.done @!p1 $0x0  }
0x99: {  	[sflag:s14] =	ssyncadd.s32 @!p1 $0xFFFFF000  }
0x9a: {  	_ =	swait.ge @!p1 [sflag:s14], $0x1000  }
0x9b: {  	[sflag:s14] =	ssyncset.done @!p1 $0x0  }
0x9c: {  	[sflag:s14] =	ssyncadd.s32 @!p1 $0xFFFFF000  }
0x9d: {  	_ =	swait.ge @!p1 [sflag:s14], $0x1000  }
0x9e: {  	[sflag:s14] =	ssyncset.done @!p1 $0x0  }
0x9f: {  	[sflag:s14] =	ssyncadd.s32 @!p1 $0xFFFFF000  }
0xa0: {  	_ =	swait.ge @!p1 [sflag:s14], $0x1000  }
0xa1: {  	[sflag:s14] =	ssyncset.done @!p1 $0x0  }
0xa2: {  	[sflag:s14] =	ssyncadd.s32 @!p1 $0xFFFFF000  }
0xa3: {  	_ =	swait.ge @!p1 [sflag:s14], $0x1000  }
0xa4: {  	[sflag:s14] =	ssyncset.done @!p1 $0x0  }
0xa5: {  	[sflag:s14] =	ssyncadd.s32 @!p1 $0xFFFFF000  }
0xa6: {  	_ =	swait.ge @!p1 [sflag:s14], $0x1000  }
0xa7: {  	[sflag:s14] =	ssyncset.done @!p1 $0x0  }
0xa8: {  	[sflag:s14] =	ssyncadd.s32 @!p1 $0xFFFFF000  }
0xa9: {  	_ =	swait.ge @!p1 [sflag:s14], $0x1000  }
0xaa: {  	[sflag:s14] =	ssyncset.done @!p1 $0x0  }
0xab: {  	[sflag:s14] =	ssyncadd.s32 @!p1 $0xFFFFF000;
	s14 =	simm.s32 @p0 $0x3  }
0xac: {  	_ =	swait.ge @p0 [sflag:s14], $0x1000  }
0xad: {  	[sflag:s14] =	ssyncset.done @p0 $0x0  }
0xae: {  	[sflag:s14] =	ssyncadd.s32 @p0 $0xFFFFF000  }
0xaf: {  	_ =	swait.ge @p0 [sflag:s14], $0x1000  }
0xb0: {  	[sflag:s14] =	ssyncset.done @p0 $0x0  }
0xb1: {  	[sflag:s14] =	ssyncadd.s32 @p0 $0xFFFFF000  }
0xb2: {  	_ =	swait.ge @p0 [sflag:s14], $0x1000  }
0xb3: {  	[sflag:s14] =	ssyncset.done @p0 $0x0  }
0xb4: {  	[sflag:s14] =	ssyncadd.s32 @p0 $0xFFFFF000  }
0xb5: {  	_ =	swait.ge @p0 [sflag:s14], $0x1000  }
0xb6: {  	[sflag:s14] =	ssyncset.done @p0 $0x0  }
0xb7: {  	[sflag:s14] =	ssyncadd.s32 @p0 $0xFFFFF000  }
0xb8: {  	_ =	swait.ge @p0 [sflag:s14], $0x1000  }
0xb9: {  	[sflag:s14] =	ssyncset.done @p0 $0x0  }
0xba: {  	[sflag:s14] =	ssyncadd.s32 @p0 $0xFFFFF000  }
0xbb: {  	_ =	swait.ge @p0 [sflag:s14], $0x1000  }
0xbc: {  	[sflag:s14] =	ssyncset.done @p0 $0x0  }
0xbd: {  	[sflag:s14] =	ssyncadd.s32 @p0 $0xFFFFF000  }
0xbe: {  	_ =	swait.ge @p0 [sflag:s14], $0x1000  }
0xbf: {  	[sflag:s14] =	ssyncset.done @p0 $0x0  }
0xc0: {  	[sflag:s14] =	ssyncadd.s32 @p0 $0xFFFFF000  }
0xc1: {  	_ =	swait.ge @p0 [sflag:s14], $0x1000  }
0xc2: {  	[sflag:s14] =	ssyncset.done @p0 $0x0  }
0xc3: {  	[sflag:s14] =	ssyncadd.s32 @p0 $0xFFFFF000  }
0xc4: {  	v3 =	vld [tilespmem:s4+$0xFFFFFFFC];
	_ =	sdelay $0x1  }
0xc5: {  	v43 =	vld [tilespmem:s0+$0xFFFFFFFC];
	_ =	sdelay $0x2  }
0xc6: {  	(v2sf) =	vpush v3, $0x0;
	_ =	sdelay $0x1  }
0xc7: {  	(v2sf) =	vpush v43, $0x0;
	_ =	sdelay $0xa  }
0xc8: {  	s14 =	sshll.u32 s13, $0x7;
	(v2sf) =	vpush v3, $0x1  }
0xc9: {  	v5 =	vmov s14;
	s22 =	sor.u32 $0x10, s14;
	(v2sf) =	vpush v43, $0x1  }
0xca: {  	v5 =	vshll.u32 v5, $0x7;
	v6 =	vmov s22;
	s21 =	spop (v2sf)  }
0xcb: {  	v5 =	vor.u32 v1, v5;
	v6 =	vshll.u32 v6, $0x7;
	s13 =	sand.u32 $0x7F, s21  }
0xcc: {  	v6 =	vor.u32 v1, v6;
	s23 =	spop (v2sf);
	v7 =	vor.u32 s13, v5  }
0xcd: {  	s24 =	sand.u32 $0x7F, s23;
	v8 =	vor.u32 s13, v6  }
0xce: {  	v5 =	vor.u32 s24, v5  }
0xcf: {  	v6 =	vor.u32 s24, v6;
	_ =	sdelay $0x1  }
0xd0: {  	v7 =	vld.idx.msk [tilespmem:v7+s18+$0x0], $0xffff  }
0xd1: {  	v8 =	vld.idx.msk [tilespmem:v8+s18+$0x0], $0xffff  }
0xd2: {  	v5 =	vld.idx.msk [tilespmem:v5+s20+$0x0], $0xffff  }
0xd3: {  	(v2sf) =	vpush v3, $0x2;
	v6 =	vld.idx.msk [tilespmem:v6+s20+$0x0], $0xffff  }
0xd4: {  	s24 =	sor.u32 $0x30, s14  }
0xd5: {  	s21 =	sor.u32 $0x20, s14;
	(v2sf) =	vpush v43, $0x2;
	v10 =	vmov s24  }
0xd6: {  	v9 =	vmov s21;
	s22 =	spop (v2sf);
	s23 =	sadd.s32 $0xFFFFFFFD, s31;
	v10 =	vshll.u32 v10, $0x7  }
0xd7: {  	v44 =	vshll.u32 v9, $0x7;
	v45 =	vor.u32 s23, v2;
	s13 =	sand.u32 $0x7F, s22;
	s23 =	spop (v2sf);
	v10 =	vor.u32 v1, v10  }
0xd8: {  	s21 =	sand.u32 $0x7F, s23;
	v47 =	vor.u32 s13, v10;
	v5 =	vmul.f32 v5, v7;
	v6 =	vmul.f32 v6, v8  }
0xd9: {  	v10 =	vor.u32 s21, v10;
	v7 =	vor.u32 v1, v44  }
0xda: {  	v46 =	vor.u32 s13, v7;
	v5 =	vadd.f32 v6, v5  }
0xdb: {  	v7 =	vor.u32 s21, v7;
	s13 =	simm.s32 $0x10500  }
0xdc: {  	[tilespmem:v45+s13+$0x0] =	vst.idx.msk $0xffff, v5  }
0xdd: {  	v6 =	vld.idx.msk [tilespmem:v47+s18+$0x0], $0xffff  }
0xde: {  	v48 =	vld.idx.msk [tilespmem:v10+s20+$0x0], $0xffff  }
0xdf: {  	v5 =	vld.idx.msk [tilespmem:v46+s18+$0x0], $0xffff  }
0xe0: {  	s24 =	sor.u32 $0x40, s14;
	v7 =	vld.idx.msk [tilespmem:v7+s20+$0x0], $0xffff  }
0xe1: {  	(v2sf) =	vpush v3, $0x3;
	v3 =	vmov s24  }
0xe2: {  	v3 =	vshll.u32 v3, $0x7;
	s22 =	spop (v2sf)  }
0xe3: {  	s23 =	sor.u32 $0x50, s14;
	v3 =	vor.u32 v1, v3;
	s21 =	sadd.s32 $0xFFFFFFFE, s31;
	(v2sf) =	vpush v43, $0x3;
	s22 =	sand.u32 $0x7F, s22  }
0xe4: {  	v50 =	vmov s23;
	v49 =	vor.u32 s21, v2;
	s24 =	spop (v2sf);
	v51 =	vor.u32 s22, v3  }
0xe5: {  	s24 =	sand.u32 $0x7F, s24;
	v6 =	vmul.f32 v48, v6;
	v5 =	vmul.f32 v7, v5;
	v7 =	vshll.u32 v50, $0x7  }
0xe6: {  	v3 =	vor.u32 s24, v3;
	v7 =	vor.u32 v1, v7  }
0xe7: {  	v5 =	vadd.f32 v6, v5;
	v52 =	vor.u32 s22, v7  }
0xe8: {  	v7 =	vor.u32 s24, v7  }
0xe9: {  	[tilespmem:v49+s13+$0x0] =	vst.idx.msk $0xffff, v5  }
0xea: {  	v4 =	vld.idx.msk [tilespmem:v51+s18+$0x0], $0xffff  }
0xeb: {  	v3 =	vld.idx.msk [tilespmem:v3+s20+$0x0], $0xffff  }
0xec: {  	v5 =	vld.idx.msk [tilespmem:v52+s18+$0x0], $0xffff  }
0xed: {  	v53 =	vld.idx.msk [tilespmem:v7+s20+$0x0], $0xffff  }
0xee: {  	s22 =	sor.u32 $0x60, s14  }
0xef: {  	s14 =	sor.u32 $0x70, s14;
	s24 =	sadd.s32 $0xFFFFFFFF, s31;
	v54 =	vmov s22  }
0xf0: {  	s23 =	spop (v2sf);
	v56 =	vmov s14;
	v57 =	vor.u32 s24, v2;
	v55 =	vshll.u32 v54, $0x7  }
0xf1: {  	s23 =	sand.u32 $0x7F, s23;
	v7 =	vshll.u32 v56, $0x7;
	v3 =	vmul.f32 v3, v4;
	v4 =	vor.u32 v1, v55  }
0xf2: {  	s24 =	spop (v2sf);
	v7 =	vor.u32 v1, v7;
	v58 =	vor.u32 s23, v4;
	v5 =	vmul.f32 v53, v5  }
0xf3: {  	s21 =	sand.u32 $0x7F, s24;
	v59 =	vor.u32 s23, v7  }
0xf4: {  	v4 =	vor.u32 s21, v4;
	v3 =	vadd.f32 v5, v3  }
0xf5: {  	v60 =	vor.u32 s21, v7  }
0xf6: {  	[tilespmem:v57+s13+$0x0] =	vst.idx.msk $0xffff, v3  }
0xf7: {  	v3 =	vld.idx.msk [tilespmem:v58+s18+$0x0], $0xffff  }
0xf8: {  	v61 =	vld.idx.msk [tilespmem:v59+s18+$0x0], $0xffff  }
0xf9: {  	v4 =	vld.idx.msk [tilespmem:v4+s20+$0x0], $0xffff  }
0xfa: {  	v5 =	vld.idx.msk [tilespmem:v60+s20+$0x0], $0xffff;
	_ =	sdelay $0x2  }
0xfb: {  	v62 =	vor.u32 s31, v2;
	s31 =	sadd.s32 $0x4, s31  }
0xfc: {  	p0 =	sne.s32 s31, $0x203  }
.Ltmp0:
0xfd: {  	v3 =	vmul.f32 v4, v3;
	v63 =	vmul.f32 v5, v61;
	(pc) =	sbr.rel @p0 .LBB2_2-.Ltmp0, $3  }
0xfe: {  	_ = 	snop  }
0xff: {  	v3 =	vadd.f32 v63, v3;
	_ =	sdelay $0x1  }
0x100: {  	s3 =	sadd.s32 $0x1, s3;
	s0 =	sadd.s32 $0x4, s0;
	s4 =	sadd.s32 $0x4, s4;
	[tilespmem:v62+s13+$0x0] =	vst.idx.msk $0xffff, v3  }
0x101: {  	s0 =	simm.s32 $0x12700  }
0x102: {  	s3 =	simm.s32 $0x12500;
	v3 =	vld [tilespmem:s0+$0x0]  }
0x103: {  	v4 =	vld [tilespmem:s3+$0x0];
	_ =	sdelay $0x1  }
0x104: {  	s24 =	simm.s32 $0x0;
	v5 =	vld [tilespmem:s13+$0x0]  }
0x105: {  	s0 =	sand.u32 $0x1F0, s24  }
0x106: {  	v6 =	vld [tilespmem:s0+$0x10700]  }
0x107: {  	v3 =	vadd.f32 v3, v4  }
0x108: {  	v4 =	vld [tilespmem:s0+$0x10900]  }
0x109: {  	v3 =	vadd.f32 v5, v3  }
0x10a: {  	v5 =	vld [tilespmem:s0+$0x10B00]  }
0x10b: {  	v3 =	vadd.f32 v6, v3  }
0x10c: {  	v6 =	vld [tilespmem:s0+$0x10D00]  }
0x10d: {  	v3 =	vadd.f32 v4, v3  }
0x10e: {  	v4 =	vld [tilespmem:s0+$0x10F00]  }
0x10f: {  	v3 =	vadd.f32 v5, v3  }
0x110: {  	v5 =	vld [tilespmem:s0+$0x11100]  }
0x111: {  	v3 =	vadd.f32 v6, v3  }
0x112: {  	v6 =	vld [tilespmem:s0+$0x11300]  }
0x113: {  	v3 =	vadd.f32 v4, v3  }
0x114: {  	v4 =	vld [tilespmem:s0+$0x11500]  }
0x115: {  	v3 =	vadd.f32 v5, v3  }
0x116: {  	v5 =	vld [tilespmem:s0+$0x11700]  }
0x117: {  	v3 =	vadd.f32 v6, v3  }
0x118: {  	v6 =	vld [tilespmem:s0+$0x11900]  }
0x119: {  	v3 =	vadd.f32 v4, v3  }
0x11a: {  	v4 =	vld [tilespmem:s0+$0x11B00]  }
0x11b: {  	v3 =	vadd.f32 v5, v3  }
0x11c: {  	v5 =	vld [tilespmem:s0+$0x11D00]  }
0x11d: {  	v3 =	vadd.f32 v6, v3  }
0x11e: {  	v6 =	vld [tilespmem:s0+$0x11F00]  }
0x11f: {  	v3 =	vadd.f32 v4, v3  }
0x120: {  	v4 =	vld [tilespmem:s0+$0x12100]  }
0x121: {  	v3 =	vadd.f32 v5, v3  }
0x122: {  	v5 =	vld [tilespmem:s0+$0x12300]  }
0x123: {  	v3 =	vadd.f32 v6, v3;
	_ =	sdelay $0x1  }
0x124: {  	v3 =	vadd.f32 v4, v3;
	_ =	sdelay $0x1  }
0x125: {  	v3 =	vadd.f32 v5, v3  }
0x126: {  	s0 =	simm.s32 $0x12900  }
0x127: {  	s3 =	simm.s32 $0x12710;
	[tilespmem:s0+$0x0] =	vst v3  }
0x128: {  	s31 =	simm.s32 $0x12510;
	v3 =	vld [tilespmem:s3+$0x0]  }
0x129: {  	s4 =	simm.s32 $0x10;
	s14 =	simm.s32 $0x20;
	v4 =	vld [tilespmem:s31+$0x0]  }
.LBB2_4:
0x12a: {  	p0 =	sne.s32 s14, $0x1F0;
	s13 =	sadd.s32 $0x10, s13  }
0x12b: {  	v5 =	vld [tilespmem:s13+$0x0]  }
0x12c: {  	s21 =	sand.u32 $0x1F0, s4;
	s4 =	smov.u32 s14  }
0x12d: {  	v6 =	vld [tilespmem:s21+$0x10700]  }
0x12e: {  	v3 =	vadd.f32 v3, v4  }
0x12f: {  	v4 =	vld [tilespmem:s21+$0x10900]  }
0x130: {  	v3 =	vadd.f32 v5, v3  }
0x131: {  	v5 =	vld [tilespmem:s21+$0x10B00]  }
0x132: {  	v3 =	vadd.f32 v6, v3  }
0x133: {  	v6 =	vld [tilespmem:s21+$0x10D00]  }
0x134: {  	v3 =	vadd.f32 v4, v3  }
0x135: {  	v4 =	vld [tilespmem:s21+$0x10F00]  }
0x136: {  	v3 =	vadd.f32 v5, v3  }
0x137: {  	v5 =	vld [tilespmem:s21+$0x11100]  }
0x138: {  	v3 =	vadd.f32 v6, v3  }
0x139: {  	v6 =	vld [tilespmem:s21+$0x11300]  }
0x13a: {  	v3 =	vadd.f32 v4, v3  }
0x13b: {  	v4 =	vld [tilespmem:s21+$0x11500]  }
0x13c: {  	v3 =	vadd.f32 v5, v3  }
0x13d: {  	v5 =	vld [tilespmem:s21+$0x11700]  }
0x13e: {  	v3 =	vadd.f32 v6, v3  }
0x13f: {  	v6 =	vld [tilespmem:s21+$0x11900]  }
0x140: {  	v3 =	vadd.f32 v4, v3  }
0x141: {  	v4 =	vld [tilespmem:s21+$0x11B00]  }
0x142: {  	v3 =	vadd.f32 v5, v3  }
0x143: {  	v5 =	vld [tilespmem:s21+$0x11D00]  }
0x144: {  	v3 =	vadd.f32 v6, v3  }
0x145: {  	v6 =	vld [tilespmem:s21+$0x11F00]  }
0x146: {  	v3 =	vadd.f32 v4, v3  }
0x147: {  	v4 =	vld [tilespmem:s21+$0x12100]  }
0x148: {  	v3 =	vadd.f32 v5, v3  }
0x149: {  	v5 =	vld [tilespmem:s21+$0x12300]  }
0x14a: {  	v3 =	vadd.f32 v6, v3;
	_ =	sdelay $0x1  }
0x14b: {  	v3 =	vadd.f32 v4, v3;
	_ =	sdelay $0x1  }
.Ltmp1:
0x14c: {  	v3 =	vadd.f32 v5, v3;
	(pc) =	sbr.rel @p0 .LBB2_4-.Ltmp1, $4  }
0x14d: {  	s0 =	sadd.s32 $0x10, s0  }
0x14e: {  	s3 =	sadd.s32 $0x10, s3;
	[tilespmem:s0+$0x0] =	vst v3  }
0x14f: {  	s31 =	sadd.s32 $0x10, s31;
	v3 =	vld [tilespmem:s3+$0x0]  }
0x150: {  	s14 =	sadd.s32 $0x10, s14;
	v4 =	vld [tilespmem:s31+$0x0]  }
0x151: {  	s3 =	sadd.s32 $0x10, s13  }
0x152: {  	v5 =	vld [tilespmem:s3+$0x0]  }
0x153: {  	s31 =	sand.u32 $0x1F0, s4  }
0x154: {  	v6 =	vld [tilespmem:s31+$0x10700]  }
0x155: {  	v3 =	vadd.f32 v3, v4  }
0x156: {  	v50 =	vld [tilespmem:s31+$0x10900]  }
0x157: {  	v3 =	vadd.f32 v5, v3  }
0x158: {  	v51 =	vld [tilespmem:s31+$0x10B00]  }
0x159: {  	v3 =	vadd.f32 v6, v3  }
0x15a: {  	v52 =	vld [tilespmem:s31+$0x10D00]  }
0x15b: {  	v3 =	vadd.f32 v50, v3  }
0x15c: {  	v53 =	vld [tilespmem:s31+$0x10F00]  }
0x15d: {  	v3 =	vadd.f32 v51, v3  }
0x15e: {  	v54 =	vld [tilespmem:s31+$0x11100]  }
0x15f: {  	v3 =	vadd.f32 v52, v3  }
0x160: {  	v55 =	vld [tilespmem:s31+$0x11300]  }
0x161: {  	v3 =	vadd.f32 v53, v3  }
0x162: {  	v56 =	vld [tilespmem:s31+$0x11500]  }
0x163: {  	v3 =	vadd.f32 v54, v3  }
0x164: {  	v57 =	vld [tilespmem:s31+$0x11700]  }
0x165: {  	v3 =	vadd.f32 v55, v3  }
0x166: {  	v58 =	vld [tilespmem:s31+$0x11900]  }
0x167: {  	v3 =	vadd.f32 v56, v3  }
0x168: {  	v59 =	vld [tilespmem:s31+$0x11B00]  }
0x169: {  	v3 =	vadd.f32 v57, v3  }
0x16a: {  	v60 =	vld [tilespmem:s31+$0x11D00]  }
0x16b: {  	v3 =	vadd.f32 v58, v3  }
0x16c: {  	v61 =	vld [tilespmem:s31+$0x11F00]  }
0x16d: {  	v3 =	vadd.f32 v59, v3  }
0x16e: {  	v62 =	vld [tilespmem:s31+$0x12100]  }
0x16f: {  	v3 =	vadd.f32 v60, v3  }
0x170: {  	v63 =	vld [tilespmem:s31+$0x12300]  }
0x171: {  	v3 =	vadd.f32 v61, v3;
	_ =	sdelay $0x1  }
0x172: {  	v3 =	vadd.f32 v62, v3;
	_ =	sdelay $0x1  }
0x173: {  	s30 =	sadd.s32 $0x1, s30;
	v3 =	vadd.f32 v63, v3  }
0x174: {  	s0 =	sadd.s32 $0x10, s0;
	p0 =	sne.s32 s30, s10  }
.Ltmp2:
0x175: {  	[tilespmem:s0+$0x0] =	vst v3;
	(pc) =	sbr.rel @p0 .LBB2_1-.Ltmp2, $4  }
0x176: {  	[hbm4b:s9+s5] =	stream.linear.scatter [tilespmem:s28], [sflag:$0x4], $0x200, $0x38;
	[tilespmem:$0x12B00] =	vst v63  }
0x177: {  	_ =	swait.ge [sflag:s29], $0x200  }
0x178: {  	[sflag:s29] =	ssyncset.done $0x0  }
0x179: {  	[sflag:s29] =	ssyncadd.s32 $0xFFFFFE00  }
0x17a: {  	_ =	sfence.sel $0x180000  }
0x17b: {  	[bflag:$0x0] =	sbarrier.arrive $0xFFFF  }
0x17c: {  	_ =	strace $0x90000047  }
0x17d: {  	s0 =	stileid.u32;
	[bflag:$0x2] =	sbarrier.arrive $0xFFFF  }
0x17e: {  	p0 =	sne.s32 s0, $0x0;
	s0 =	rddreg [dreg:$0x6]  }
0x17f: {  	s0 =	sadd.s32 @!p0 $0x100000, s0  }
0x180: {  	[sflag:s0] =	ssyncadd.tile.s32 @!p0 $0x1;
	_ =	shalt  }
.Lfunc_end2:
_tile_overlayer_lowered:
.L_overlay_start_2:
0x181: {  	(tag) =	ssettag $0x2  }
0x182: {  	s0 =	rddreg [dreg:$0x0];
	s2 =	stileid.u32  }
0x183: {  	s1 =	rddreg [dreg:$0x1];
	p0 =	sne.s32 s2, $0x0  }
0x184: {  	s3 =	rddreg [dreg:$0x2];
	[bflag:$0x3] =	sbarrier.arrive $0xFFFF;
	s2 =	simm.s32 @!p0 $0x1C04  }
0x185: {  	[timem:s3], [sflag:s2] =	dma.local @!p0 [hbm:s0], s1  }
0x186: {  	s0 =	simm.s32 @!p0 $0x4  }
0x187: {  	_ =	swait.ge @!p0 [sflag:s0], s1  }
0x188: {  	s1 =	ssub.s32 @!p0 $0x0, s1;
	[sflag:s0] =	ssyncset.done @!p0 $0x0  }
0x189: {  	[sflag:s0] =	ssyncadd.s32 @!p0 s1  }
0x18a: {  	[bflag:$0x3] =	sbarrier.arrive $0xFFFF  }
0x18b: {  	_ =	shalt  }

</sc_bundles>
